<compile_context>
chip_gen: v7x
topology: tpu7x:2x2x1
jax: 0.10.2.dev20260603
libtpu: 0.0.44.dev20260713+nightly
codegen_flags: <defaults>
</compile_context>

<pallas_src>
import jax
import jax.numpy as jnp
from jax import lax
from jax.experimental import pallas as pl
from jax.experimental.pallas import tpu as pltpu
from jax.experimental.pallas import tpu_sc as plsc

N = 10000
D = 256
H = 256
E = 160000
HALF = 128

NS = 16
NC = 2
BB = 128
NB = 80
EPT = NB * BB
E_PAD = EPT * NS
N_ACC = 10240
RPT = N_ACC // NS
RB = 1024
GRID = N_ACC // RB


def _dot(a, b):
    return lax.dot_general(a, b, (((1,), (1,)), ((), ())),
                           preferred_element_type=jnp.float32)


def _mm1_body(x_ref, wl_ref, wr_ref, b_ref, t_ref, xr_ref):
    xb = x_ref[...]
    t_ref[...] = _dot(xb, wl_ref[...])
    xr_ref[...] = _dot(xb, wr_ref[...]) + b_ref[...]


def _mm1(x, W1l, W1r, b1l):
    return pl.pallas_call(
        _mm1_body,
        grid=(NC, GRID),
        in_specs=[
            pl.BlockSpec((RB, D), lambda k, i: (i, 0)),
            pl.BlockSpec((HALF, D), lambda k, i: (k, 0)),
            pl.BlockSpec((HALF, D), lambda k, i: (k, 0)),
            pl.BlockSpec((1, HALF), lambda k, i: (0, k)),
        ],
        out_specs=[
            pl.BlockSpec((RB, HALF), lambda k, i: (k * GRID + i, 0)),
            pl.BlockSpec((RB, HALF), lambda k, i: (i, k)),
        ],
        out_shape=[
            jax.ShapeDtypeStruct((NC * N_ACC, HALF), jnp.float32),
            jax.ShapeDtypeStruct((N_ACC, H), jnp.float32),
        ],
    )(x, W1l, W1r, b1l)


NW = NC * NS
NBC = NB // 2


def _cnt_body(dsts, cntp, idv, rows, acc, sem):
    c = lax.axis_index("c")
    s = lax.axis_index("s")

    def _fill(val):
        def _f(k, carry):
            i = k // (HALF // 16)
            m = (k % (HALF // 16)) * 16
            rows[i, pl.ds(m, 16)] = val
            return carry
        lax.fori_loop(0, BB * HALF // 16, _f, 0)

    _fill(jnp.zeros((16,), jnp.float32))

    def _zacc(bb, carry):
        pltpu.sync_copy(rows, acc.at[pl.ds(s * RPT + bb * BB, BB)])
        return carry
    lax.fori_loop(0, RPT // BB, _zacc, 0)

    _fill(jnp.ones((16,), jnp.float32))

    pltpu.sync_copy(dsts.at[s], idv)
    plsc.subcore_barrier()

    def _step(g, carry):
        ds_ = []
        for t in range(8):
            j2 = 2 * (8 * g + t) + c
            ds_.append(pltpu.async_copy(rows, acc.at[idv.at[j2]], sem,
                                        add=True))
        for d in ds_:
            d.wait()
        return carry
    lax.fori_loop(0, NBC // 8, _step, 0)

    plsc.subcore_barrier()
    r0 = s * RPT
    pltpu.sync_copy(acc.at[pl.ds(r0, RPT)],
                    cntp.at[pl.ds(c * N_ACC + r0, RPT)])


_sc_cnt = pl.kernel(
    _cnt_body,
    jax.ShapeDtypeStruct((NC * N_ACC, HALF), jnp.float32),
    mesh=plsc.VectorSubcoreMesh(core_axis_name="c", subcore_axis_name="s"),
    scratch_types=[
        pltpu.VMEM((NB, BB), jnp.int32),
        pltpu.VMEM((BB, HALF), jnp.float32),
        pltpu.VMEM_SHARED((N_ACC, HALF), jnp.float32),
        pltpu.SemaphoreType.DMA,
    ],
)


def _sc_body(tcat, srcs2, dsts, aggcat, isv, idv, rows_a, rows_b, acc, sga):
    c = lax.axis_index("c")
    s = lax.axis_index("s")

    def _zrow(k, carry):
        i = k // (HALF // 16)
        m = (k % (HALF // 16)) * 16
        rows_a[i, pl.ds(m, 16)] = jnp.zeros((16,), jnp.float32)
        return carry
    lax.fori_loop(0, BB * HALF // 16, _zrow, 0)

    def _zacc(b, carry):
        pltpu.sync_copy(rows_a, acc.at[pl.ds(s * RPT + b * BB, BB)])
        return carry
    lax.fori_loop(0, RPT // BB, _zacc, 0)

    pltpu.sync_copy(srcs2.at[c].at[s], isv)
    pltpu.sync_copy(dsts.at[s], idv)

    plsc.subcore_barrier()

    def _step(j, carry):
        pltpu.async_copy(tcat.at[isv.at[j]], rows_a, sga).wait()
        pltpu.sync_copy(rows_a, acc.at[idv.at[j]], add=True)
        return carry
    lax.fori_loop(0, NB, _step, 0)

    plsc.subcore_barrier()

    r0 = s * RPT
    pltpu.sync_copy(acc.at[pl.ds(r0, RPT)],
                    aggcat.at[pl.ds(c * N_ACC + r0, RPT)])


_sc_agg = pl.kernel(
    _sc_body,
    jax.ShapeDtypeStruct((NC * N_ACC, HALF), jnp.float32),
    mesh=plsc.VectorSubcoreMesh(core_axis_name="c", subcore_axis_name="s"),
    scratch_types=[
        pltpu.VMEM((NB, BB), jnp.int32),
        pltpu.VMEM((NB, BB), jnp.int32),
        pltpu.VMEM((BB, HALF), jnp.float32),
        pltpu.VMEM((BB, HALF), jnp.float32),
        pltpu.VMEM_SHARED((N_ACC, HALF), jnp.float32),
        pltpu.SemaphoreType.DMA,
    ],
)


def _mm2_body(aa_ref, ab_ref, c0_ref, c1_ref, xr_ref, wl_ref, wr_ref, b_ref,
              t_ref, hr_ref):
    inv = 1.0 / jnp.maximum(c0_ref[:, 0:1] + c1_ref[:, 0:1], 1.0)
    h = jnp.concatenate([aa_ref[...], ab_ref[...]], axis=1) * inv + xr_ref[...]
    h = jnp.maximum(h, 0.0)
    t_ref[...] = _dot(h, wl_ref[...])
    hr_ref[...] = _dot(h, wr_ref[...]) + b_ref[...]


def _mm2(aggcat, cnt, xr, W2l, W2r, b2l):
    return pl.pallas_call(
        _mm2_body,
        grid=(NC, GRID),
        in_specs=[
            pl.BlockSpec((RB, HALF), lambda k, i: (i, 0)),
            pl.BlockSpec((RB, HALF), lambda k, i: (GRID + i, 0)),
            pl.BlockSpec((RB, HALF), lambda k, i: (i, 0)),
            pl.BlockSpec((RB, HALF), lambda k, i: (N_ACC // RB + i, 0)),
            pl.BlockSpec((RB, H), lambda k, i: (i, 0)),
            pl.BlockSpec((HALF, H), lambda k, i: (k, 0)),
            pl.BlockSpec((HALF, H), lambda k, i: (k, 0)),
            pl.BlockSpec((1, HALF), lambda k, i: (0, k)),
        ],
        out_specs=[
            pl.BlockSpec((RB, HALF), lambda k, i: (k * GRID + i, 0)),
            pl.BlockSpec((RB, HALF), lambda k, i: (i, k)),
        ],
        out_shape=[
            jax.ShapeDtypeStruct((NC * N_ACC, HALF), jnp.float32),
            jax.ShapeDtypeStruct((N_ACC, H), jnp.float32),
        ],
    )(aggcat, aggcat, cnt, cnt, xr, W2l, W2r, b2l)


def _mm3_body(aa_ref, ab_ref, c0_ref, c1_ref, hr_ref, out_ref):
    inv = 1.0 / jnp.maximum(c0_ref[:, 0:1] + c1_ref[:, 0:1], 1.0)
    out_ref[...] = (jnp.concatenate([aa_ref[...], ab_ref[...]], axis=1) * inv
                    + hr_ref[...])


def _mm3(aggcat, cnt, hr):
    return pl.pallas_call(
        _mm3_body,
        grid=(GRID,),
        in_specs=[
            pl.BlockSpec((RB, HALF), lambda i: (i, 0)),
            pl.BlockSpec((RB, HALF), lambda i: (GRID + i, 0)),
            pl.BlockSpec((RB, HALF), lambda i: (i, 0)),
            pl.BlockSpec((RB, HALF), lambda i: (N_ACC // RB + i, 0)),
            pl.BlockSpec((RB, H), lambda i: (i, 0)),
        ],
        out_specs=pl.BlockSpec((RB, H), lambda i: (i, 0)),
        out_shape=jax.ShapeDtypeStruct((N, H), jnp.float32),
    )(aggcat, aggcat, cnt, cnt, hr)


def kernel(x, edge_index, W1l, b1l, W1r, W2l, b2l, W2r):
    src = edge_index[0].astype(jnp.int32)
    dst = edge_index[1].astype(jnp.int32)
    ar = jnp.arange(E_PAD - E, dtype=jnp.int32)
    src_p = jnp.concatenate([src, ar % N])
    dst_p = jnp.concatenate([dst, N + (ar % (N_ACC - N))])
    srcs = src_p.reshape(NS, NB, BB)
    srcs2 = jnp.stack([srcs, srcs + N_ACC])
    dsts = dst_p.reshape(NS, NB, BB)

    b1 = b1l.reshape(1, H)
    b2 = b2l.reshape(1, H)

    t1, xr1 = _mm1(x, W1l, W1r, b1)
    cnt = _sc_cnt(dsts)
    agg1 = _sc_agg(t1, srcs2, dsts)
    t2, hr2 = _mm2(agg1, cnt, xr1, W2l, W2r, b2)
    agg2 = _sc_agg(t2, srcs2, dsts)
    return _mm3(agg2, cnt, hr2)

# --- scband reference (transcript-rebuilt; emitter-appended) ---
"""Pipeline reference for scband-graph-sagemodel-77206332112900 (READ-ONLY COPY).

The authoritative reference and input builder live on the scoring server;
editing this copy changes nothing except your own understanding.
"""

import jax, jax.numpy as jnp
import numpy as np

N = 10000
E = 160000
D = 256
H = 256


def setup_inputs(seed: int = 0) -> dict:
    key = jax.random.key(seed)
    ks = jax.random.split(key, 8)
    x = jax.random.normal(ks[0], (N, D), dtype=jnp.float32)
    edge_index = jax.random.randint(ks[1], (2, E), 0, N, dtype=jnp.int32)
    # SAGEConv layer 1: lin_l (neighbor agg, with bias), lin_r (root, no bias)
    W1l = jax.random.normal(ks[2], (H, D), dtype=jnp.float32) * (1.0 / np.sqrt(D))
    b1l = jnp.zeros((H,), dtype=jnp.float32)
    W1r = jax.random.normal(ks[3], (H, D), dtype=jnp.float32) * (1.0 / np.sqrt(D))
    # SAGEConv layer 2
    W2l = jax.random.normal(ks[4], (H, H), dtype=jnp.float32) * (1.0 / np.sqrt(H))
    b2l = jnp.zeros((H,), dtype=jnp.float32)
    W2r = jax.random.normal(ks[5], (H, H), dtype=jnp.float32) * (1.0 / np.sqrt(H))
    return {"x": x, "edge_index": edge_index, "W1l": W1l, "b1l": b1l, "W1r": W1r,
            "W2l": W2l, "b2l": b2l, "W2r": W2r}


def sage_conv(x, edge_index, Wl, bl, Wr):
    # PyG SAGEConv (mean aggregation): out = lin_l(mean_{j in N(i)} x_j) + lin_r(x_i)
    src = edge_index[0]
    dst = edge_index[1]
    msgs = x[src]
    agg = jax.ops.segment_sum(msgs, dst, num_segments=x.shape[0])
    cnt = jax.ops.segment_sum(jnp.ones((edge_index.shape[1],), dtype=x.dtype), dst,
                              num_segments=x.shape[0])
    mean = agg / jnp.clip(cnt, 1.0)[:, None]
    return mean @ Wl.T + bl + x @ Wr.T


def reference(x, edge_index, W1l, b1l, W1r, W2l, b2l, W2r):
    h = jax.nn.relu(sage_conv(x, edge_index, W1l, b1l, W1r))
    out = sage_conv(h, edge_index, W2l, b2l, W2r)
    return out

if __name__ == "__main__":
    import jax
    _d = setup_inputs()
    print(jax.jit(kernel)(*tuple(_d.values())))

</pallas_src>

<mosaic_0001>
#map = affine_map<(d0, d1) -> (0, 0, 0)>
#map1 = affine_map<(d0, d1) -> (0, 0)>
module attributes {stable_mosaic.version = 14 : i64} {
  func.func @_cnt_body(%arg0: i32, %arg1: i32, %arg2: memref<16x80x128xi32, #tpu.memory_space<hbm>>, %arg3: memref<20480x128xf32, #tpu.memory_space<hbm>>, %arg4: memref<80x128xi32, #tpu.memory_space<vmem>>, %arg5: memref<128x128xf32, #tpu.memory_space<vmem>>, %arg6: memref<10240x128xf32, #tpu.memory_space<vmem_shared>>, %arg7: memref<!tpu.dma_semaphore, #tpu.memory_space<semaphore_mem>>) attributes {dimension_semantics = [#tpu.dimension_semantics<core_parallel>, #tpu.dimension_semantics<subcore_parallel>], iteration_bounds = array<i64: 2, 16>, scalar_prefetch = 0 : i64, scratch_operands = 4 : i64, tpu.core_type = #tpu.core_type<sc_vector_subcore>, window_params = [{transform_indices = #map}, {transform_indices = #map1}]} {
    %broadcast_in_dim3A = arith.constant 0.000000e+00 : f32
    %broadcast_in_dim3A_0 = vector.broadcast %broadcast_in_dim3A : f32 to vector<16xf32>
    %scan3A = arith.constant 0 : i32
    %scan3A_1 = arith.constant 0 : i32
    %scan3A_2 = arith.constant 1024 : i32
    %scan3A_3 = arith.addi %scan3A_1, %scan3A_2 : i32
    %scan3A_4 = arith.constant 1 : i32
    scf.for %scan3A_30 = %scan3A_1 to %scan3A_3 step %scan3A_4  : i32 {
      %jit3A = arith.constant 8 : i32
      %div3A = arith.divsi %scan3A_30, %jit3A : i32
      %sign3A = arith.constant 0 : i32
      %sign3A_31 = arith.cmpi sgt, %scan3A_30, %sign3A : i32
      %sign3A_32 = arith.extui %sign3A_31 : i1 to i32
      %sign3A_33 = arith.constant 0 : i32
      %sign3A_34 = arith.cmpi slt, %scan3A_30, %sign3A_33 : i32
      %sign3A_35 = arith.extui %sign3A_34 : i1 to i32
      %sign3A_36 = arith.subi %sign3A_32, %sign3A_35 : i32
      %sign3A_37 = arith.constant 0 : i32
      %sign3A_38 = arith.cmpi sgt, %jit3A, %sign3A_37 : i32
      %sign3A_39 = arith.extui %sign3A_38 : i1 to i32
      %sign3A_40 = arith.constant 0 : i32
      %sign3A_41 = arith.cmpi slt, %jit3A, %sign3A_40 : i32
      %sign3A_42 = arith.extui %sign3A_41 : i1 to i32
      %sign3A_43 = arith.subi %sign3A_39, %sign3A_42 : i32
      %ne3A = arith.cmpi ne, %sign3A_36, %sign3A_43 : i32
      %rem3A = arith.remsi %scan3A_30, %jit3A : i32
      %ne3A_44 = arith.constant 0 : i32
      %ne3A_45 = arith.cmpi ne, %rem3A, %ne3A_44 : i32
      %and3A = arith.andi %ne3A, %ne3A_45 : i1
      %sub3A = arith.constant 1 : i32
      %sub3A_46 = arith.subi %div3A, %sub3A : i32
      %select_n3A = arith.select %and3A, %sub3A_46, %div3A : i32
      %jit3A_47 = arith.constant 8 : i32
      %eq3A = arith.constant 0 : i32
      %eq3A_48 = arith.cmpi eq, %jit3A_47, %eq3A : i32
      %jit3A_49 = arith.constant 1 : i32
      %select_n3A_50 = arith.select %eq3A_48, %jit3A_49, %jit3A_47 : i32
      %rem3A_51 = arith.remsi %scan3A_30, %select_n3A_50 : i32
      %ne3A_52 = arith.constant 0 : i32
      %ne3A_53 = arith.cmpi ne, %rem3A_51, %ne3A_52 : i32
      %lt3A = arith.constant 0 : i32
      %lt3A_54 = arith.cmpi slt, %rem3A_51, %lt3A : i32
      %lt3A_55 = arith.constant 0 : i32
      %lt3A_56 = arith.cmpi slt, %select_n3A_50, %lt3A_55 : i32
      %ne3A_57 = arith.xori %lt3A_54, %lt3A_56 : i1
      %and3A_58 = arith.andi %ne3A_57, %ne3A_53 : i1
      %add3A_59 = arith.addi %rem3A_51, %select_n3A_50 : i32
      %select_n3A_60 = arith.select %and3A_58, %add3A_59, %rem3A_51 : i32
      %mul3A_61 = arith.constant 16 : i32
      %mul3A_62 = arith.muli %select_n3A_60, %mul3A_61 : i32
      %swap3A = arith.index_cast %select_n3A : i32 to index
      %swap3A_63 = arith.index_cast %mul3A_62 : i32 to index
      %swap3A_64 = tpu.vector_load %arg5[%swap3A, %swap3A_63] {strides = array<i32>} : memref<128x128xf32, #tpu.memory_space<vmem>>, vector<1x16xf32>,
      %swap3A_65 = vector.shape_cast %swap3A_64 : vector<1x16xf32> to vector<16xf32>
      %swap3A_66 = vector.shape_cast %broadcast_in_dim3A_0 : vector<16xf32> to vector<1x16xf32>
      tpu.vector_store %arg5[%swap3A, %swap3A_63], %swap3A_66 {strides = array<i32>} : memref<128x128xf32, #tpu.memory_space<vmem>>, vector<1x16xf32>,
    }
    %scan3A_5 = arith.constant 1024 : i32
    %scan3A_6 = arith.constant 0 : i32
    %scan3A_7 = arith.constant 0 : i32
    %scan3A_8 = arith.constant 5 : i32
    %scan3A_9 = arith.addi %scan3A_7, %scan3A_8 : i32
    %scan3A_10 = arith.constant 1 : i32
    scf.for %scan3A_30 = %scan3A_7 to %scan3A_9 step %scan3A_10  : i32 {
      %mul3A_31 = arith.constant 640 : i32
      %mul3A_32 = arith.muli %arg1, %mul3A_31 : i32
      %mul3A_33 = arith.constant 128 : i32
      %mul3A_34 = arith.muli %scan3A_30, %mul3A_33 : i32
      %add3A_35 = arith.addi %mul3A_32, %mul3A_34 : i32
      "tpu.region"() ({
        %run_scoped3A = tpu.sem_alloc : memref<!tpu.dma_semaphore, #tpu.memory_space<semaphore_mem>>
        %dma_start3A = arith.constant 0 : i32
        %dma_start3A_36 = tpu.memref_slice %arg6[%add3A_35, %dma_start3A] : memref<10240x128xf32, #tpu.memory_space<vmem_shared>> -> memref<128x128xf32, #tpu.memory_space<vmem_shared>>
        %dma_start3A_37 = arith.constant 0 : i32
        %dma_start3A_38 = tpu.memref_slice %arg6[%add3A_35, %dma_start3A_37] : memref<10240x128xf32, #tpu.memory_space<vmem_shared>> -> memref<128x128xf32, #tpu.memory_space<vmem_shared>>
        tpu.enqueue_dma source(%arg5 : memref<128x128xf32, #tpu.memory_space<vmem>>) target(%dma_start3A_38 : memref<128x128xf32, #tpu.memory_space<vmem_shared>>) target_semaphore(%run_scoped3A : memref<!tpu.dma_semaphore, #tpu.memory_space<semaphore_mem>>)
        %dma_wait3A = arith.constant 0 : i32
        %dma_wait3A_39 = tpu.memref_slice %arg6[%add3A_35, %dma_wait3A] : memref<10240x128xf32, #tpu.memory_space<vmem_shared>> -> memref<128x128xf32, #tpu.memory_space<vmem_shared>>
        %dma_wait3A_40 = arith.constant 0 : i32
        %dma_wait3A_41 = tpu.memref_slice %arg6[%add3A_35, %dma_wait3A_40] : memref<10240x128xf32, #tpu.memory_space<vmem_shared>> -> memref<128x128xf32, #tpu.memory_space<vmem_shared>>
        tpu.wait_dma2 semaphore(%run_scoped3A : memref<!tpu.dma_semaphore, #tpu.memory_space<semaphore_mem>>) src(%arg5 : memref<128x128xf32, #tpu.memory_space<vmem>>) dst(%dma_wait3A_41 : memref<128x128xf32, #tpu.memory_space<vmem_shared>>)
        tpu.yield
      }) : () -> ()
    }
    %scan3A_11 = arith.constant 5 : i32
    %broadcast_in_dim3A_12 = arith.constant 1.000000e+00 : f32
    %broadcast_in_dim3A_13 = vector.broadcast %broadcast_in_dim3A_12 : f32 to vector<16xf32>
    %scan3A_14 = arith.constant 0 : i32
    %scan3A_15 = arith.constant 0 : i32
    %scan3A_16 = arith.constant 1024 : i32
    %scan3A_17 = arith.addi %scan3A_15, %scan3A_16 : i32
    %scan3A_18 = arith.constant 1 : i32
    scf.for %scan3A_30 = %scan3A_15 to %scan3A_17 step %scan3A_18  : i32 {
      %jit3A = arith.constant 8 : i32
      %div3A = arith.divsi %scan3A_30, %jit3A : i32
      %sign3A = arith.constant 0 : i32
      %sign3A_31 = arith.cmpi sgt, %scan3A_30, %sign3A : i32
      %sign3A_32 = arith.extui %sign3A_31 : i1 to i32
      %sign3A_33 = arith.constant 0 : i32
      %sign3A_34 = arith.cmpi slt, %scan3A_30, %sign3A_33 : i32
      %sign3A_35 = arith.extui %sign3A_34 : i1 to i32
      %sign3A_36 = arith.subi %sign3A_32, %sign3A_35 : i32
      %sign3A_37 = arith.constant 0 : i32
      %sign3A_38 = arith.cmpi sgt, %jit3A, %sign3A_37 : i32
      %sign3A_39 = arith.extui %sign3A_38 : i1 to i32
      %sign3A_40 = arith.constant 0 : i32
      %sign3A_41 = arith.cmpi slt, %jit3A, %sign3A_40 : i32
      %sign3A_42 = arith.extui %sign3A_41 : i1 to i32
      %sign3A_43 = arith.subi %sign3A_39, %sign3A_42 : i32
      %ne3A = arith.cmpi ne, %sign3A_36, %sign3A_43 : i32
      %rem3A = arith.remsi %scan3A_30, %jit3A : i32
      %ne3A_44 = arith.constant 0 : i32
      %ne3A_45 = arith.cmpi ne, %rem3A, %ne3A_44 : i32
      %and3A = arith.andi %ne3A, %ne3A_45 : i1
      %sub3A = arith.constant 1 : i32
      %sub3A_46 = arith.subi %div3A, %sub3A : i32
      %select_n3A = arith.select %and3A, %sub3A_46, %div3A : i32
      %jit3A_47 = arith.constant 8 : i32
      %eq3A = arith.constant 0 : i32
      %eq3A_48 = arith.cmpi eq, %jit3A_47, %eq3A : i32
      %jit3A_49 = arith.constant 1 : i32
      %select_n3A_50 = arith.select %eq3A_48, %jit3A_49, %jit3A_47 : i32
      %rem3A_51 = arith.remsi %scan3A_30, %select_n3A_50 : i32
      %ne3A_52 = arith.constant 0 : i32
      %ne3A_53 = arith.cmpi ne, %rem3A_51, %ne3A_52 : i32
      %lt3A = arith.constant 0 : i32
      %lt3A_54 = arith.cmpi slt, %rem3A_51, %lt3A : i32
      %lt3A_55 = arith.constant 0 : i32
      %lt3A_56 = arith.cmpi slt, %select_n3A_50, %lt3A_55 : i32
      %ne3A_57 = arith.xori %lt3A_54, %lt3A_56 : i1
      %and3A_58 = arith.andi %ne3A_57, %ne3A_53 : i1
      %add3A_59 = arith.addi %rem3A_51, %select_n3A_50 : i32
      %select_n3A_60 = arith.select %and3A_58, %add3A_59, %rem3A_51 : i32
      %mul3A_61 = arith.constant 16 : i32
      %mul3A_62 = arith.muli %select_n3A_60, %mul3A_61 : i32
      %swap3A = arith.index_cast %select_n3A : i32 to index
      %swap3A_63 = arith.index_cast %mul3A_62 : i32 to index
      %swap3A_64 = tpu.vector_load %arg5[%swap3A, %swap3A_63] {strides = array<i32>} : memref<128x128xf32, #tpu.memory_space<vmem>>, vector<1x16xf32>,
      %swap3A_65 = vector.shape_cast %swap3A_64 : vector<1x16xf32> to vector<16xf32>
      %swap3A_66 = vector.shape_cast %broadcast_in_dim3A_13 : vector<16xf32> to vector<1x16xf32>
      tpu.vector_store %arg5[%swap3A, %swap3A_63], %swap3A_66 {strides = array<i32>} : memref<128x128xf32, #tpu.memory_space<vmem>>, vector<1x16xf32>,
    }
    %scan3A_19 = arith.constant 1024 : i32
    "tpu.region"() ({
      %run_scoped3A = tpu.sem_alloc : memref<!tpu.dma_semaphore, #tpu.memory_space<semaphore_mem>>
      %dma_start3A = arith.constant 0 : i32
      %dma_start3A_30 = arith.constant 0 : i32
      %dma_start3A_31 = tpu.memref_slice %arg2[%arg1, %dma_start3A, %dma_start3A_30] : memref<16x80x128xi32, #tpu.memory_space<hbm>> -> memref<1x80x128xi32, #tpu.memory_space<hbm>>
      %dma_start3A_32 = tpu.memref_squeeze %dma_start3A_31 : memref<1x80x128xi32, #tpu.memory_space<hbm>> -> memref<80x128xi32, #tpu.memory_space<hbm>>
      %dma_start3A_33 = arith.constant 0 : i32
      %dma_start3A_34 = arith.constant 0 : i32
      %dma_start3A_35 = tpu.memref_slice %arg2[%arg1, %dma_start3A_33, %dma_start3A_34] : memref<16x80x128xi32, #tpu.memory_space<hbm>> -> memref<1x80x128xi32, #tpu.memory_space<hbm>>
      %dma_start3A_36 = tpu.memref_squeeze %dma_start3A_35 : memref<1x80x128xi32, #tpu.memory_space<hbm>> -> memref<80x128xi32, #tpu.memory_space<hbm>>
      tpu.enqueue_dma source(%dma_start3A_36 : memref<80x128xi32, #tpu.memory_space<hbm>>) target(%arg4 : memref<80x128xi32, #tpu.memory_space<vmem>>) target_semaphore(%run_scoped3A : memref<!tpu.dma_semaphore, #tpu.memory_space<semaphore_mem>>)
      %dma_wait3A = arith.constant 0 : i32
      %dma_wait3A_37 = arith.constant 0 : i32
      %dma_wait3A_38 = tpu.memref_slice %arg2[%arg1, %dma_wait3A, %dma_wait3A_37] : memref<16x80x128xi32, #tpu.memory_space<hbm>> -> memref<1x80x128xi32, #tpu.memory_space<hbm>>
      %dma_wait3A_39 = tpu.memref_squeeze %dma_wait3A_38 : memref<1x80x128xi32, #tpu.memory_space<hbm>> -> memref<80x128xi32, #tpu.memory_space<hbm>>
      %dma_wait3A_40 = arith.constant 0 : i32
      %dma_wait3A_41 = arith.constant 0 : i32
      %dma_wait3A_42 = tpu.memref_slice %arg2[%arg1, %dma_wait3A_40, %dma_wait3A_41] : memref<16x80x128xi32, #tpu.memory_space<hbm>> -> memref<1x80x128xi32, #tpu.memory_space<hbm>>
      %dma_wait3A_43 = tpu.memref_squeeze %dma_wait3A_42 : memref<1x80x128xi32, #tpu.memory_space<hbm>> -> memref<80x128xi32, #tpu.memory_space<hbm>>
      tpu.wait_dma2 semaphore(%run_scoped3A : memref<!tpu.dma_semaphore, #tpu.memory_space<semaphore_mem>>) src(%dma_wait3A_43 : memref<80x128xi32, #tpu.memory_space<hbm>>) dst(%arg4 : memref<80x128xi32, #tpu.memory_space<vmem>>)
      tpu.yield
    }) : () -> ()
    %barrier3A = arith.constant 0 : index
    tpu.barrier barrier_id(%barrier3A)
    %scan3A_20 = arith.constant 0 : i32
    %scan3A_21 = arith.constant 0 : i32
    %scan3A_22 = arith.constant 5 : i32
    %scan3A_23 = arith.addi %scan3A_21, %scan3A_22 : i32
    %scan3A_24 = arith.constant 1 : i32
    scf.for %scan3A_30 = %scan3A_21 to %scan3A_23 step %scan3A_24  : i32 {
      %mul3A_31 = arith.constant 8 : i32
      %mul3A_32 = arith.muli %mul3A_31, %scan3A_30 : i32
      %add3A_33 = arith.constant 0 : i32
      %add3A_34 = arith.addi %mul3A_32, %add3A_33 : i32
      %mul3A_35 = arith.constant 2 : i32
      %mul3A_36 = arith.muli %mul3A_35, %add3A_34 : i32
      %add3A_37 = arith.addi %mul3A_36, %arg0 : i32
      %dma_start3A = arith.constant 0 : i32
      %dma_start3A_38 = tpu.memref_slice %arg4[%add3A_37, %dma_start3A] : memref<80x128xi32, #tpu.memory_space<vmem>> -> memref<1x128xi32, #tpu.memory_space<vmem>>
      %dma_start3A_39 = tpu.memref_squeeze %dma_start3A_38 : memref<1x128xi32, #tpu.memory_space<vmem>> -> memref<128xi32, #tpu.memory_space<vmem>>
      %dma_start3A_40 = arith.constant 0 : i32
      %dma_start3A_41 = arith.constant 0 : i32
      %dma_start3A_42 = tpu.memref_slice %arg6[%dma_start3A_40, %dma_start3A_41] : memref<10240x128xf32, #tpu.memory_space<vmem_shared>> -> memref<10240x128xf32, #tpu.memory_space<vmem_shared>>
      tpu.enqueue_indirect_dma source(%arg5 : memref<128x128xf32, #tpu.memory_space<vmem>>) target(%dma_start3A_42 : memref<10240x128xf32, #tpu.memory_space<vmem_shared>>) offsets(%dma_start3A_39 : memref<128xi32, #tpu.memory_space<vmem>>) semaphore(%arg7 : memref<!tpu.dma_semaphore, #tpu.memory_space<semaphore_mem>>) {add = true}
      %mul3A_43 = arith.constant 8 : i32
      %mul3A_44 = arith.muli %mul3A_43, %scan3A_30 : i32
      %add3A_45 = arith.constant 1 : i32
      %add3A_46 = arith.addi %mul3A_44, %add3A_45 : i32
      %mul3A_47 = arith.constant 2 : i32
      %mul3A_48 = arith.muli %mul3A_47, %add3A_46 : i32
      %add3A_49 = arith.addi %mul3A_48, %arg0 : i32
      %dma_start3A_50 = arith.constant 0 : i32
      %dma_start3A_51 = tpu.memref_slice %arg4[%add3A_49, %dma_start3A_50] : memref<80x128xi32, #tpu.memory_space<vmem>> -> memref<1x128xi32, #tpu.memory_space<vmem>>
      %dma_start3A_52 = tpu.memref_squeeze %dma_start3A_51 : memref<1x128xi32, #tpu.memory_space<vmem>> -> memref<128xi32, #tpu.memory_space<vmem>>
      %dma_start3A_53 = arith.constant 0 : i32
      %dma_start3A_54 = arith.constant 0 : i32
      %dma_start3A_55 = tpu.memref_slice %arg6[%dma_start3A_53, %dma_start3A_54] : memref<10240x128xf32, #tpu.memory_space<vmem_shared>> -> memref<10240x128xf32, #tpu.memory_space<vmem_shared>>
      tpu.enqueue_indirect_dma source(%arg5 : memref<128x128xf32, #tpu.memory_space<vmem>>) target(%dma_start3A_55 : memref<10240x128xf32, #tpu.memory_space<vmem_shared>>) offsets(%dma_start3A_52 : memref<128xi32, #tpu.memory_space<vmem>>) semaphore(%arg7 : memref<!tpu.dma_semaphore, #tpu.memory_space<semaphore_mem>>) {add = true}
      %mul3A_56 = arith.constant 8 : i32
      %mul3A_57 = arith.muli %mul3A_56, %scan3A_30 : i32
      %add3A_58 = arith.constant 2 : i32
      %add3A_59 = arith.addi %mul3A_57, %add3A_58 : i32
      %mul3A_60 = arith.constant 2 : i32
      %mul3A_61 = arith.muli %mul3A_60, %add3A_59 : i32
      %add3A_62 = arith.addi %mul3A_61, %arg0 : i32
      %dma_start3A_63 = arith.constant 0 : i32
      %dma_start3A_64 = tpu.memref_slice %arg4[%add3A_62, %dma_start3A_63] : memref<80x128xi32, #tpu.memory_space<vmem>> -> memref<1x128xi32, #tpu.memory_space<vmem>>
      %dma_start3A_65 = tpu.memref_squeeze %dma_start3A_64 : memref<1x128xi32, #tpu.memory_space<vmem>> -> memref<128xi32, #tpu.memory_space<vmem>>
      %dma_start3A_66 = arith.constant 0 : i32
      %dma_start3A_67 = arith.constant 0 : i32
      %dma_start3A_68 = tpu.memref_slice %arg6[%dma_start3A_66, %dma_start3A_67] : memref<10240x128xf32, #tpu.memory_space<vmem_shared>> -> memref<10240x128xf32, #tpu.memory_space<vmem_shared>>
      tpu.enqueue_indirect_dma source(%arg5 : memref<128x128xf32, #tpu.memory_space<vmem>>) target(%dma_start3A_68 : memref<10240x128xf32, #tpu.memory_space<vmem_shared>>) offsets(%dma_start3A_65 : memref<128xi32, #tpu.memory_space<vmem>>) semaphore(%arg7 : memref<!tpu.dma_semaphore, #tpu.memory_space<semaphore_mem>>) {add = true}
      %mul3A_69 = arith.constant 8 : i32
      %mul3A_70 = arith.muli %mul3A_69, %scan3A_30 : i32
      %add3A_71 = arith.constant 3 : i32
      %add3A_72 = arith.addi %mul3A_70, %add3A_71 : i32
      %mul3A_73 = arith.constant 2 : i32
      %mul3A_74 = arith.muli %mul3A_73, %add3A_72 : i32
      %add3A_75 = arith.addi %mul3A_74, %arg0 : i32
      %dma_start3A_76 = arith.constant 0 : i32
      %dma_start3A_77 = tpu.memref_slice %arg4[%add3A_75, %dma_start3A_76] : memref<80x128xi32, #tpu.memory_space<vmem>> -> memref<1x128xi32, #tpu.memory_space<vmem>>
      %dma_start3A_78 = tpu.memref_squeeze %dma_start3A_77 : memref<1x128xi32, #tpu.memory_space<vmem>> -> memref<128xi32, #tpu.memory_space<vmem>>
      %dma_start3A_79 = arith.constant 0 : i32
      %dma_start3A_80 = arith.constant 0 : i32
      %dma_start3A_81 = tpu.memref_slice %arg6[%dma_start3A_79, %dma_start3A_80] : memref<10240x128xf32, #tpu.memory_space<vmem_shared>> -> memref<10240x128xf32, #tpu.memory_space<vmem_shared>>
      tpu.enqueue_indirect_dma source(%arg5 : memref<128x128xf32, #tpu.memory_space<vmem>>) target(%dma_start3A_81 : memref<10240x128xf32, #tpu.memory_space<vmem_shared>>) offsets(%dma_start3A_78 : memref<128xi32, #tpu.memory_space<vmem>>) semaphore(%arg7 : memref<!tpu.dma_semaphore, #tpu.memory_space<semaphore_mem>>) {add = true}
      %mul3A_82 = arith.constant 8 : i32
      %mul3A_83 = arith.muli %mul3A_82, %scan3A_30 : i32
      %add3A_84 = arith.constant 4 : i32
      %add3A_85 = arith.addi %mul3A_83, %add3A_84 : i32
      %mul3A_86 = arith.constant 2 : i32
      %mul3A_87 = arith.muli %mul3A_86, %add3A_85 : i32
      %add3A_88 = arith.addi %mul3A_87, %arg0 : i32
      %dma_start3A_89 = arith.constant 0 : i32
      %dma_start3A_90 = tpu.memref_slice %arg4[%add3A_88, %dma_start3A_89] : memref<80x128xi32, #tpu.memory_space<vmem>> -> memref<1x128xi32, #tpu.memory_space<vmem>>
      %dma_start3A_91 = tpu.memref_squeeze %dma_start3A_90 : memref<1x128xi32, #tpu.memory_space<vmem>> -> memref<128xi32, #tpu.memory_space<vmem>>
      %dma_start3A_92 = arith.constant 0 : i32
      %dma_start3A_93 = arith.constant 0 : i32
      %dma_start3A_94 = tpu.memref_slice %arg6[%dma_start3A_92, %dma_start3A_93] : memref<10240x128xf32, #tpu.memory_space<vmem_shared>> -> memref<10240x128xf32, #tpu.memory_space<vmem_shared>>
      tpu.enqueue_indirect_dma source(%arg5 : memref<128x128xf32, #tpu.memory_space<vmem>>) target(%dma_start3A_94 : memref<10240x128xf32, #tpu.memory_space<vmem_shared>>) offsets(%dma_start3A_91 : memref<128xi32, #tpu.memory_space<vmem>>) semaphore(%arg7 : memref<!tpu.dma_semaphore, #tpu.memory_space<semaphore_mem>>) {add = true}
      %mul3A_95 = arith.constant 8 : i32
      %mul3A_96 = arith.muli %mul3A_95, %scan3A_30 : i32
      %add3A_97 = arith.constant 5 : i32
      %add3A_98 = arith.addi %mul3A_96, %add3A_97 : i32
      %mul3A_99 = arith.constant 2 : i32
      %mul3A_100 = arith.muli %mul3A_99, %add3A_98 : i32
      %add3A_101 = arith.addi %mul3A_100, %arg0 : i32
      %dma_start3A_102 = arith.constant 0 : i32
      %dma_start3A_103 = tpu.memref_slice %arg4[%add3A_101, %dma_start3A_102] : memref<80x128xi32, #tpu.memory_space<vmem>> -> memref<1x128xi32, #tpu.memory_space<vmem>>
      %dma_start3A_104 = tpu.memref_squeeze %dma_start3A_103 : memref<1x128xi32, #tpu.memory_space<vmem>> -> memref<128xi32, #tpu.memory_space<vmem>>
      %dma_start3A_105 = arith.constant 0 : i32
      %dma_start3A_106 = arith.constant 0 : i32
      %dma_start3A_107 = tpu.memref_slice %arg6[%dma_start3A_105, %dma_start3A_106] : memref<10240x128xf32, #tpu.memory_space<vmem_shared>> -> memref<10240x128xf32, #tpu.memory_space<vmem_shared>>
      tpu.enqueue_indirect_dma source(%arg5 : memref<128x128xf32, #tpu.memory_space<vmem>>) target(%dma_start3A_107 : memref<10240x128xf32, #tpu.memory_space<vmem_shared>>) offsets(%dma_start3A_104 : memref<128xi32, #tpu.memory_space<vmem>>) semaphore(%arg7 : memref<!tpu.dma_semaphore, #tpu.memory_space<semaphore_mem>>) {add = true}
      %mul3A_108 = arith.constant 8 : i32
      %mul3A_109 = arith.muli %mul3A_108, %scan3A_30 : i32
      %add3A_110 = arith.constant 6 : i32
      %add3A_111 = arith.addi %mul3A_109, %add3A_110 : i32
      %mul3A_112 = arith.constant 2 : i32
      %mul3A_113 = arith.muli %mul3A_112, %add3A_111 : i32
      %add3A_114 = arith.addi %mul3A_113, %arg0 : i32
      %dma_start3A_115 = arith.constant 0 : i32
      %dma_start3A_116 = tpu.memref_slice %arg4[%add3A_114, %dma_start3A_115] : memref<80x128xi32, #tpu.memory_space<vmem>> -> memref<1x128xi32, #tpu.memory_space<vmem>>
      %dma_start3A_117 = tpu.memref_squeeze %dma_start3A_116 : memref<1x128xi32, #tpu.memory_space<vmem>> -> memref<128xi32, #tpu.memory_space<vmem>>
      %dma_start3A_118 = arith.constant 0 : i32
      %dma_start3A_119 = arith.constant 0 : i32
      %dma_start3A_120 = tpu.memref_slice %arg6[%dma_start3A_118, %dma_start3A_119] : memref<10240x128xf32, #tpu.memory_space<vmem_shared>> -> memref<10240x128xf32, #tpu.memory_space<vmem_shared>>
      tpu.enqueue_indirect_dma source(%arg5 : memref<128x128xf32, #tpu.memory_space<vmem>>) target(%dma_start3A_120 : memref<10240x128xf32, #tpu.memory_space<vmem_shared>>) offsets(%dma_start3A_117 : memref<128xi32, #tpu.memory_space<vmem>>) semaphore(%arg7 : memref<!tpu.dma_semaphore, #tpu.memory_space<semaphore_mem>>) {add = true}
      %mul3A_121 = arith.constant 8 : i32
      %mul3A_122 = arith.muli %mul3A_121, %scan3A_30 : i32
      %add3A_123 = arith.constant 7 : i32
      %add3A_124 = arith.addi %mul3A_122, %add3A_123 : i32
      %mul3A_125 = arith.constant 2 : i32
      %mul3A_126 = arith.muli %mul3A_125, %add3A_124 : i32
      %add3A_127 = arith.addi %mul3A_126, %arg0 : i32
      %dma_start3A_128 = arith.constant 0 : i32
      %dma_start3A_129 = tpu.memref_slice %arg4[%add3A_127, %dma_start3A_128] : memref<80x128xi32, #tpu.memory_space<vmem>> -> memref<1x128xi32, #tpu.memory_space<vmem>>
      %dma_start3A_130 = tpu.memref_squeeze %dma_start3A_129 : memref<1x128xi32, #tpu.memory_space<vmem>> -> memref<128xi32, #tpu.memory_space<vmem>>
      %dma_start3A_131 = arith.constant 0 : i32
      %dma_start3A_132 = arith.constant 0 : i32
      %dma_start3A_133 = tpu.memref_slice %arg6[%dma_start3A_131, %dma_start3A_132] : memref<10240x128xf32, #tpu.memory_space<vmem_shared>> -> memref<10240x128xf32, #tpu.memory_space<vmem_shared>>
      tpu.enqueue_indirect_dma source(%arg5 : memref<128x128xf32, #tpu.memory_space<vmem>>) target(%dma_start3A_133 : memref<10240x128xf32, #tpu.memory_space<vmem_shared>>) offsets(%dma_start3A_130 : memref<128xi32, #tpu.memory_space<vmem>>) semaphore(%arg7 : memref<!tpu.dma_semaphore, #tpu.memory_space<semaphore_mem>>) {add = true}
      %dma_wait3A = arith.constant 0 : i32
      %dma_wait3A_134 = tpu.memref_slice %arg4[%add3A_37, %dma_wait3A] : memref<80x128xi32, #tpu.memory_space<vmem>> -> memref<1x128xi32, #tpu.memory_space<vmem>>
      %dma_wait3A_135 = tpu.memref_squeeze %dma_wait3A_134 : memref<1x128xi32, #tpu.memory_space<vmem>> -> memref<128xi32, #tpu.memory_space<vmem>>
      %dma_wait3A_136 = arith.constant 0 : i32
      %dma_wait3A_137 = arith.constant 0 : i32
      %dma_wait3A_138 = tpu.memref_slice %arg6[%dma_wait3A_136, %dma_wait3A_137] : memref<10240x128xf32, #tpu.memory_space<vmem_shared>> -> memref<10240x128xf32, #tpu.memory_space<vmem_shared>>
      tpu.wait_indirect_dma semaphore(%arg7 : memref<!tpu.dma_semaphore, #tpu.memory_space<semaphore_mem>>) src(%arg5 : memref<128x128xf32, #tpu.memory_space<vmem>>) dst(%dma_wait3A_138 : memref<10240x128xf32, #tpu.memory_space<vmem_shared>>)
      %dma_wait3A_139 = arith.constant 0 : i32
      %dma_wait3A_140 = tpu.memref_slice %arg4[%add3A_49, %dma_wait3A_139] : memref<80x128xi32, #tpu.memory_space<vmem>> -> memref<1x128xi32, #tpu.memory_space<vmem>>
      %dma_wait3A_141 = tpu.memref_squeeze %dma_wait3A_140 : memref<1x128xi32, #tpu.memory_space<vmem>> -> memref<128xi32, #tpu.memory_space<vmem>>
      %dma_wait3A_142 = arith.constant 0 : i32
      %dma_wait3A_143 = arith.constant 0 : i32
      %dma_wait3A_144 = tpu.memref_slice %arg6[%dma_wait3A_142, %dma_wait3A_143] : memref<10240x128xf32, #tpu.memory_space<vmem_shared>> -> memref<10240x128xf32, #tpu.memory_space<vmem_shared>>
      tpu.wait_indirect_dma semaphore(%arg7 : memref<!tpu.dma_semaphore, #tpu.memory_space<semaphore_mem>>) src(%arg5 : memref<128x128xf32, #tpu.memory_space<vmem>>) dst(%dma_wait3A_144 : memref<10240x128xf32, #tpu.memory_space<vmem_shared>>)
      %dma_wait3A_145 = arith.constant 0 : i32
      %dma_wait3A_146 = tpu.memref_slice %arg4[%add3A_62, %dma_wait3A_145] : memref<80x128xi32, #tpu.memory_space<vmem>> -> memref<1x128xi32, #tpu.memory_space<vmem>>
      %dma_wait3A_147 = tpu.memref_squeeze %dma_wait3A_146 : memref<1x128xi32, #tpu.memory_space<vmem>> -> memref<128xi32, #tpu.memory_space<vmem>>
      %dma_wait3A_148 = arith.constant 0 : i32
      %dma_wait3A_149 = arith.constant 0 : i32
      %dma_wait3A_150 = tpu.memref_slice %arg6[%dma_wait3A_148, %dma_wait3A_149] : memref<10240x128xf32, #tpu.memory_space<vmem_shared>> -> memref<10240x128xf32, #tpu.memory_space<vmem_shared>>
      tpu.wait_indirect_dma semaphore(%arg7 : memref<!tpu.dma_semaphore, #tpu.memory_space<semaphore_mem>>) src(%arg5 : memref<128x128xf32, #tpu.memory_space<vmem>>) dst(%dma_wait3A_150 : memref<10240x128xf32, #tpu.memory_space<vmem_shared>>)
      %dma_wait3A_151 = arith.constant 0 : i32
      %dma_wait3A_152 = tpu.memref_slice %arg4[%add3A_75, %dma_wait3A_151] : memref<80x128xi32, #tpu.memory_space<vmem>> -> memref<1x128xi32, #tpu.memory_space<vmem>>
      %dma_wait3A_153 = tpu.memref_squeeze %dma_wait3A_152 : memref<1x128xi32, #tpu.memory_space<vmem>> -> memref<128xi32, #tpu.memory_space<vmem>>
      %dma_wait3A_154 = arith.constant 0 : i32
      %dma_wait3A_155 = arith.constant 0 : i32
      %dma_wait3A_156 = tpu.memref_slice %arg6[%dma_wait3A_154, %dma_wait3A_155] : memref<10240x128xf32, #tpu.memory_space<vmem_shared>> -> memref<10240x128xf32, #tpu.memory_space<vmem_shared>>
      tpu.wait_indirect_dma semaphore(%arg7 : memref<!tpu.dma_semaphore, #tpu.memory_space<semaphore_mem>>) src(%arg5 : memref<128x128xf32, #tpu.memory_space<vmem>>) dst(%dma_wait3A_156 : memref<10240x128xf32, #tpu.memory_space<vmem_shared>>)
      %dma_wait3A_157 = arith.constant 0 : i32
      %dma_wait3A_158 = tpu.memref_slice %arg4[%add3A_88, %dma_wait3A_157] : memref<80x128xi32, #tpu.memory_space<vmem>> -> memref<1x128xi32, #tpu.memory_space<vmem>>
      %dma_wait3A_159 = tpu.memref_squeeze %dma_wait3A_158 : memref<1x128xi32, #tpu.memory_space<vmem>> -> memref<128xi32, #tpu.memory_space<vmem>>
      %dma_wait3A_160 = arith.constant 0 : i32
      %dma_wait3A_161 = arith.constant 0 : i32
      %dma_wait3A_162 = tpu.memref_slice %arg6[%dma_wait3A_160, %dma_wait3A_161] : memref<10240x128xf32, #tpu.memory_space<vmem_shared>> -> memref<10240x128xf32, #tpu.memory_space<vmem_shared>>
      tpu.wait_indirect_dma semaphore(%arg7 : memref<!tpu.dma_semaphore, #tpu.memory_space<semaphore_mem>>) src(%arg5 : memref<128x128xf32, #tpu.memory_space<vmem>>) dst(%dma_wait3A_162 : memref<10240x128xf32, #tpu.memory_space<vmem_shared>>)
      %dma_wait3A_163 = arith.constant 0 : i32
      %dma_wait3A_164 = tpu.memref_slice %arg4[%add3A_101, %dma_wait3A_163] : memref<80x128xi32, #tpu.memory_space<vmem>> -> memref<1x128xi32, #tpu.memory_space<vmem>>
      %dma_wait3A_165 = tpu.memref_squeeze %dma_wait3A_164 : memref<1x128xi32, #tpu.memory_space<vmem>> -> memref<128xi32, #tpu.memory_space<vmem>>
      %dma_wait3A_166 = arith.constant 0 : i32
      %dma_wait3A_167 = arith.constant 0 : i32
      %dma_wait3A_168 = tpu.memref_slice %arg6[%dma_wait3A_166, %dma_wait3A_167] : memref<10240x128xf32, #tpu.memory_space<vmem_shared>> -> memref<10240x128xf32, #tpu.memory_space<vmem_shared>>
      tpu.wait_indirect_dma semaphore(%arg7 : memref<!tpu.dma_semaphore, #tpu.memory_space<semaphore_mem>>) src(%arg5 : memref<128x128xf32, #tpu.memory_space<vmem>>) dst(%dma_wait3A_168 : memref<10240x128xf32, #tpu.memory_space<vmem_shared>>)
      %dma_wait3A_169 = arith.constant 0 : i32
      %dma_wait3A_170 = tpu.memref_slice %arg4[%add3A_114, %dma_wait3A_169] : memref<80x128xi32, #tpu.memory_space<vmem>> -> memref<1x128xi32, #tpu.memory_space<vmem>>
      %dma_wait3A_171 = tpu.memref_squeeze %dma_wait3A_170 : memref<1x128xi32, #tpu.memory_space<vmem>> -> memref<128xi32, #tpu.memory_space<vmem>>
      %dma_wait3A_172 = arith.constant 0 : i32
      %dma_wait3A_173 = arith.constant 0 : i32
      %dma_wait3A_174 = tpu.memref_slice %arg6[%dma_wait3A_172, %dma_wait3A_173] : memref<10240x128xf32, #tpu.memory_space<vmem_shared>> -> memref<10240x128xf32, #tpu.memory_space<vmem_shared>>
      tpu.wait_indirect_dma semaphore(%arg7 : memref<!tpu.dma_semaphore, #tpu.memory_space<semaphore_mem>>) src(%arg5 : memref<128x128xf32, #tpu.memory_space<vmem>>) dst(%dma_wait3A_174 : memref<10240x128xf32, #tpu.memory_space<vmem_shared>>)
      %dma_wait3A_175 = arith.constant 0 : i32
      %dma_wait3A_176 = tpu.memref_slice %arg4[%add3A_127, %dma_wait3A_175] : memref<80x128xi32, #tpu.memory_space<vmem>> -> memref<1x128xi32, #tpu.memory_space<vmem>>
      %dma_wait3A_177 = tpu.memref_squeeze %dma_wait3A_176 : memref<1x128xi32, #tpu.memory_space<vmem>> -> memref<128xi32, #tpu.memory_space<vmem>>
      %dma_wait3A_178 = arith.constant 0 : i32
      %dma_wait3A_179 = arith.constant 0 : i32
      %dma_wait3A_180 = tpu.memref_slice %arg6[%dma_wait3A_178, %dma_wait3A_179] : memref<10240x128xf32, #tpu.memory_space<vmem_shared>> -> memref<10240x128xf32, #tpu.memory_space<vmem_shared>>
      tpu.wait_indirect_dma semaphore(%arg7 : memref<!tpu.dma_semaphore, #tpu.memory_space<semaphore_mem>>) src(%arg5 : memref<128x128xf32, #tpu.memory_space<vmem>>) dst(%dma_wait3A_180 : memref<10240x128xf32, #tpu.memory_space<vmem_shared>>)
    }
    %scan3A_25 = arith.constant 5 : i32
    %barrier3A_26 = arith.constant 0 : index
    tpu.barrier barrier_id(%barrier3A_26)
    %mul3A = arith.constant 640 : i32
    %mul3A_27 = arith.muli %arg1, %mul3A : i32
    %mul3A_28 = arith.constant 10240 : i32
    %mul3A_29 = arith.muli %arg0, %mul3A_28 : i32
    %add3A = arith.addi %mul3A_29, %mul3A_27 : i32
    "tpu.region"() ({
      %run_scoped3A = tpu.sem_alloc : memref<!tpu.dma_semaphore, #tpu.memory_space<semaphore_mem>>
      %dma_start3A = arith.constant 0 : i32
      %dma_start3A_30 = tpu.memref_slice %arg3[%add3A, %dma_start3A] : memref<20480x128xf32, #tpu.memory_space<hbm>> -> memref<640x128xf32, #tpu.memory_space<hbm>>
      %dma_start3A_31 = arith.constant 0 : i32
      %dma_start3A_32 = tpu.memref_slice %arg6[%mul3A_27, %dma_start3A_31] : memref<10240x128xf32, #tpu.memory_space<vmem_shared>> -> memref<640x128xf32, #tpu.memory_space<vmem_shared>>
      tpu.enqueue_dma source(%dma_start3A_32 : memref<640x128xf32, #tpu.memory_space<vmem_shared>>) target(%dma_start3A_30 : memref<640x128xf32, #tpu.memory_space<hbm>>) target_semaphore(%run_scoped3A : memref<!tpu.dma_semaphore, #tpu.memory_space<semaphore_mem>>)
      %dma_wait3A = arith.constant 0 : i32
      %dma_wait3A_33 = tpu.memref_slice %arg3[%add3A, %dma_wait3A] : memref<20480x128xf32, #tpu.memory_space<hbm>> -> memref<640x128xf32, #tpu.memory_space<hbm>>
      %dma_wait3A_34 = arith.constant 0 : i32
      %dma_wait3A_35 = tpu.memref_slice %arg6[%mul3A_27, %dma_wait3A_34] : memref<10240x128xf32, #tpu.memory_space<vmem_shared>> -> memref<640x128xf32, #tpu.memory_space<vmem_shared>>
      tpu.wait_dma2 semaphore(%run_scoped3A : memref<!tpu.dma_semaphore, #tpu.memory_space<semaphore_mem>>) src(%dma_wait3A_35 : memref<640x128xf32, #tpu.memory_space<vmem_shared>>) dst(%dma_wait3A_33 : memref<640x128xf32, #tpu.memory_space<hbm>>)
      tpu.yield
    }) : () -> ()
    return
  }
}

#map = affine_map<(d0, d1) -> (0, 0)>
#map1 = affine_map<(d0, d1) -> (0, 0, 0, 0)>
#map2 = affine_map<(d0, d1) -> (0, 0, 0)>
module attributes {stable_mosaic.version = 14 : i64} {
  func.func @_sc_body(%arg0: i32, %arg1: i32, %arg2: memref<20480x128xf32, #tpu.memory_space<hbm>>, %arg3: memref<2x16x80x128xi32, #tpu.memory_space<hbm>>, %arg4: memref<16x80x128xi32, #tpu.memory_space<hbm>>, %arg5: memref<20480x128xf32, #tpu.memory_space<hbm>>, %arg6: memref<80x128xi32, #tpu.memory_space<vmem>>, %arg7: memref<80x128xi32, #tpu.memory_space<vmem>>, %arg8: memref<128x128xf32, #tpu.memory_space<vmem>>, %arg9: memref<128x128xf32, #tpu.memory_space<vmem>>, %arg10: memref<10240x128xf32, #tpu.memory_space<vmem_shared>>, %arg11: memref<!tpu.dma_semaphore, #tpu.memory_space<semaphore_mem>>) attributes {dimension_semantics = [#tpu.dimension_semantics<core_parallel>, #tpu.dimension_semantics<subcore_parallel>], iteration_bounds = array<i64: 2, 16>, scalar_prefetch = 0 : i64, scratch_operands = 6 : i64, tpu.core_type = #tpu.core_type<sc_vector_subcore>, window_params = [{transform_indices = #map}, {transform_indices = #map1}, {transform_indices = #map2}, {transform_indices = #map}]} {
    %scan3A = arith.constant 0 : i32
    %scan3A_0 = arith.constant 0 : i32
    %scan3A_1 = arith.constant 1024 : i32
    %scan3A_2 = arith.addi %scan3A_0, %scan3A_1 : i32
    %scan3A_3 = arith.constant 1 : i32
    scf.for %scan3A_21 = %scan3A_0 to %scan3A_2 step %scan3A_3  : i32 {
      %jit3A = arith.constant 8 : i32
      %div3A = arith.divsi %scan3A_21, %jit3A : i32
      %sign3A = arith.constant 0 : i32
      %sign3A_22 = arith.cmpi sgt, %scan3A_21, %sign3A : i32
      %sign3A_23 = arith.extui %sign3A_22 : i1 to i32
      %sign3A_24 = arith.constant 0 : i32
      %sign3A_25 = arith.cmpi slt, %scan3A_21, %sign3A_24 : i32
      %sign3A_26 = arith.extui %sign3A_25 : i1 to i32
      %sign3A_27 = arith.subi %sign3A_23, %sign3A_26 : i32
      %sign3A_28 = arith.constant 0 : i32
      %sign3A_29 = arith.cmpi sgt, %jit3A, %sign3A_28 : i32
      %sign3A_30 = arith.extui %sign3A_29 : i1 to i32
      %sign3A_31 = arith.constant 0 : i32
      %sign3A_32 = arith.cmpi slt, %jit3A, %sign3A_31 : i32
      %sign3A_33 = arith.extui %sign3A_32 : i1 to i32
      %sign3A_34 = arith.subi %sign3A_30, %sign3A_33 : i32
      %ne3A = arith.cmpi ne, %sign3A_27, %sign3A_34 : i32
      %rem3A = arith.remsi %scan3A_21, %jit3A : i32
      %ne3A_35 = arith.constant 0 : i32
      %ne3A_36 = arith.cmpi ne, %rem3A, %ne3A_35 : i32
      %and3A = arith.andi %ne3A, %ne3A_36 : i1
      %sub3A = arith.constant 1 : i32
      %sub3A_37 = arith.subi %div3A, %sub3A : i32
      %select_n3A = arith.select %and3A, %sub3A_37, %div3A : i32
      %jit3A_38 = arith.constant 8 : i32
      %eq3A = arith.constant 0 : i32
      %eq3A_39 = arith.cmpi eq, %jit3A_38, %eq3A : i32
      %jit3A_40 = arith.constant 1 : i32
      %select_n3A_41 = arith.select %eq3A_39, %jit3A_40, %jit3A_38 : i32
      %rem3A_42 = arith.remsi %scan3A_21, %select_n3A_41 : i32
      %ne3A_43 = arith.constant 0 : i32
      %ne3A_44 = arith.cmpi ne, %rem3A_42, %ne3A_43 : i32
      %lt3A = arith.constant 0 : i32
      %lt3A_45 = arith.cmpi slt, %rem3A_42, %lt3A : i32
      %lt3A_46 = arith.constant 0 : i32
      %lt3A_47 = arith.cmpi slt, %select_n3A_41, %lt3A_46 : i32
      %ne3A_48 = arith.xori %lt3A_45, %lt3A_47 : i1
      %and3A_49 = arith.andi %ne3A_48, %ne3A_44 : i1
      %add3A_50 = arith.addi %rem3A_42, %select_n3A_41 : i32
      %select_n3A_51 = arith.select %and3A_49, %add3A_50, %rem3A_42 : i32
      %mul3A_52 = arith.constant 16 : i32
      %mul3A_53 = arith.muli %select_n3A_51, %mul3A_52 : i32
      %broadcast_in_dim3A = arith.constant 0.000000e+00 : f32
      %broadcast_in_dim3A_54 = vector.broadcast %broadcast_in_dim3A : f32 to vector<16xf32>
      %swap3A = arith.index_cast %select_n3A : i32 to index
      %swap3A_55 = arith.index_cast %mul3A_53 : i32 to index
      %swap3A_56 = tpu.vector_load %arg8[%swap3A, %swap3A_55] {strides = array<i32>} : memref<128x128xf32, #tpu.memory_space<vmem>>, vector<1x16xf32>,
      %swap3A_57 = vector.shape_cast %swap3A_56 : vector<1x16xf32> to vector<16xf32>
      %swap3A_58 = vector.shape_cast %broadcast_in_dim3A_54 : vector<16xf32> to vector<1x16xf32>
      tpu.vector_store %arg8[%swap3A, %swap3A_55], %swap3A_58 {strides = array<i32>} : memref<128x128xf32, #tpu.memory_space<vmem>>, vector<1x16xf32>,
    }
    %scan3A_4 = arith.constant 1024 : i32
    %scan3A_5 = arith.constant 0 : i32
    %scan3A_6 = arith.constant 0 : i32
    %scan3A_7 = arith.constant 5 : i32
    %scan3A_8 = arith.addi %scan3A_6, %scan3A_7 : i32
    %scan3A_9 = arith.constant 1 : i32
    scf.for %scan3A_21 = %scan3A_6 to %scan3A_8 step %scan3A_9  : i32 {
      %mul3A_22 = arith.constant 640 : i32
      %mul3A_23 = arith.muli %arg1, %mul3A_22 : i32
      %mul3A_24 = arith.constant 128 : i32
      %mul3A_25 = arith.muli %scan3A_21, %mul3A_24 : i32
      %add3A_26 = arith.addi %mul3A_23, %mul3A_25 : i32
      "tpu.region"() ({
        %run_scoped3A = tpu.sem_alloc : memref<!tpu.dma_semaphore, #tpu.memory_space<semaphore_mem>>
        %dma_start3A = arith.constant 0 : i32
        %dma_start3A_27 = tpu.memref_slice %arg10[%add3A_26, %dma_start3A] : memref<10240x128xf32, #tpu.memory_space<vmem_shared>> -> memref<128x128xf32, #tpu.memory_space<vmem_shared>>
        %dma_start3A_28 = arith.constant 0 : i32
        %dma_start3A_29 = tpu.memref_slice %arg10[%add3A_26, %dma_start3A_28] : memref<10240x128xf32, #tpu.memory_space<vmem_shared>> -> memref<128x128xf32, #tpu.memory_space<vmem_shared>>
        tpu.enqueue_dma source(%arg8 : memref<128x128xf32, #tpu.memory_space<vmem>>) target(%dma_start3A_29 : memref<128x128xf32, #tpu.memory_space<vmem_shared>>) target_semaphore(%run_scoped3A : memref<!tpu.dma_semaphore, #tpu.memory_space<semaphore_mem>>)
        %dma_wait3A = arith.constant 0 : i32
        %dma_wait3A_30 = tpu.memref_slice %arg10[%add3A_26, %dma_wait3A] : memref<10240x128xf32, #tpu.memory_space<vmem_shared>> -> memref<128x128xf32, #tpu.memory_space<vmem_shared>>
        %dma_wait3A_31 = arith.constant 0 : i32
        %dma_wait3A_32 = tpu.memref_slice %arg10[%add3A_26, %dma_wait3A_31] : memref<10240x128xf32, #tpu.memory_space<vmem_shared>> -> memref<128x128xf32, #tpu.memory_space<vmem_shared>>
        tpu.wait_dma2 semaphore(%run_scoped3A : memref<!tpu.dma_semaphore, #tpu.memory_space<semaphore_mem>>) src(%arg8 : memref<128x128xf32, #tpu.memory_space<vmem>>) dst(%dma_wait3A_32 : memref<128x128xf32, #tpu.memory_space<vmem_shared>>)
        tpu.yield
      }) : () -> ()
    }
    %scan3A_10 = arith.constant 5 : i32
    "tpu.region"() ({
      %run_scoped3A = tpu.sem_alloc : memref<!tpu.dma_semaphore, #tpu.memory_space<semaphore_mem>>
      %dma_start3A = arith.constant 0 : i32
      %dma_start3A_21 = arith.constant 0 : i32
      %dma_start3A_22 = arith.constant 0 : i32
      %dma_start3A_23 = tpu.memref_slice %arg3[%arg0, %dma_start3A, %dma_start3A_21, %dma_start3A_22] : memref<2x16x80x128xi32, #tpu.memory_space<hbm>> -> memref<1x16x80x128xi32, #tpu.memory_space<hbm>>
      %dma_start3A_24 = tpu.memref_squeeze %dma_start3A_23 : memref<1x16x80x128xi32, #tpu.memory_space<hbm>> -> memref<16x80x128xi32, #tpu.memory_space<hbm>>
      %dma_start3A_25 = arith.constant 0 : i32
      %dma_start3A_26 = arith.constant 0 : i32
      %dma_start3A_27 = tpu.memref_slice %dma_start3A_24[%arg1, %dma_start3A_25, %dma_start3A_26] : memref<16x80x128xi32, #tpu.memory_space<hbm>> -> memref<1x80x128xi32, #tpu.memory_space<hbm>>
      %dma_start3A_28 = tpu.memref_squeeze %dma_start3A_27 : memref<1x80x128xi32, #tpu.memory_space<hbm>> -> memref<80x128xi32, #tpu.memory_space<hbm>>
      %dma_start3A_29 = arith.constant 0 : i32
      %dma_start3A_30 = arith.constant 0 : i32
      %dma_start3A_31 = arith.constant 0 : i32
      %dma_start3A_32 = tpu.memref_slice %arg3[%arg0, %dma_start3A_29, %dma_start3A_30, %dma_start3A_31] : memref<2x16x80x128xi32, #tpu.memory_space<hbm>> -> memref<1x16x80x128xi32, #tpu.memory_space<hbm>>
      %dma_start3A_33 = tpu.memref_squeeze %dma_start3A_32 : memref<1x16x80x128xi32, #tpu.memory_space<hbm>> -> memref<16x80x128xi32, #tpu.memory_space<hbm>>
      %dma_start3A_34 = arith.constant 0 : i32
      %dma_start3A_35 = arith.constant 0 : i32
      %dma_start3A_36 = tpu.memref_slice %dma_start3A_33[%arg1, %dma_start3A_34, %dma_start3A_35] : memref<16x80x128xi32, #tpu.memory_space<hbm>> -> memref<1x80x128xi32, #tpu.memory_space<hbm>>
      %dma_start3A_37 = tpu.memref_squeeze %dma_start3A_36 : memref<1x80x128xi32, #tpu.memory_space<hbm>> -> memref<80x128xi32, #tpu.memory_space<hbm>>
      tpu.enqueue_dma source(%dma_start3A_37 : memref<80x128xi32, #tpu.memory_space<hbm>>) target(%arg6 : memref<80x128xi32, #tpu.memory_space<vmem>>) target_semaphore(%run_scoped3A : memref<!tpu.dma_semaphore, #tpu.memory_space<semaphore_mem>>)
      %dma_wait3A = arith.constant 0 : i32
      %dma_wait3A_38 = arith.constant 0 : i32
      %dma_wait3A_39 = arith.constant 0 : i32
      %dma_wait3A_40 = tpu.memref_slice %arg3[%arg0, %dma_wait3A, %dma_wait3A_38, %dma_wait3A_39] : memref<2x16x80x128xi32, #tpu.memory_space<hbm>> -> memref<1x16x80x128xi32, #tpu.memory_space<hbm>>
      %dma_wait3A_41 = tpu.memref_squeeze %dma_wait3A_40 : memref<1x16x80x128xi32, #tpu.memory_space<hbm>> -> memref<16x80x128xi32, #tpu.memory_space<hbm>>
      %dma_wait3A_42 = arith.constant 0 : i32
      %dma_wait3A_43 = arith.constant 0 : i32
      %dma_wait3A_44 = tpu.memref_slice %dma_wait3A_41[%arg1, %dma_wait3A_42, %dma_wait3A_43] : memref<16x80x128xi32, #tpu.memory_space<hbm>> -> memref<1x80x128xi32, #tpu.memory_space<hbm>>
      %dma_wait3A_45 = tpu.memref_squeeze %dma_wait3A_44 : memref<1x80x128xi32, #tpu.memory_space<hbm>> -> memref<80x128xi32, #tpu.memory_space<hbm>>
      %dma_wait3A_46 = arith.constant 0 : i32
      %dma_wait3A_47 = arith.constant 0 : i32
      %dma_wait3A_48 = arith.constant 0 : i32
      %dma_wait3A_49 = tpu.memref_slice %arg3[%arg0, %dma_wait3A_46, %dma_wait3A_47, %dma_wait3A_48] : memref<2x16x80x128xi32, #tpu.memory_space<hbm>> -> memref<1x16x80x128xi32, #tpu.memory_space<hbm>>
      %dma_wait3A_50 = tpu.memref_squeeze %dma_wait3A_49 : memref<1x16x80x128xi32, #tpu.memory_space<hbm>> -> memref<16x80x128xi32, #tpu.memory_space<hbm>>
      %dma_wait3A_51 = arith.constant 0 : i32
      %dma_wait3A_52 = arith.constant 0 : i32
      %dma_wait3A_53 = tpu.memref_slice %dma_wait3A_50[%arg1, %dma_wait3A_51, %dma_wait3A_52] : memref<16x80x128xi32, #tpu.memory_space<hbm>> -> memref<1x80x128xi32, #tpu.memory_space<hbm>>
      %dma_wait3A_54 = tpu.memref_squeeze %dma_wait3A_53 : memref<1x80x128xi32, #tpu.memory_space<hbm>> -> memref<80x128xi32, #tpu.memory_space<hbm>>
      tpu.wait_dma2 semaphore(%run_scoped3A : memref<!tpu.dma_semaphore, #tpu.memory_space<semaphore_mem>>) src(%dma_wait3A_54 : memref<80x128xi32, #tpu.memory_space<hbm>>) dst(%arg6 : memref<80x128xi32, #tpu.memory_space<vmem>>)
      tpu.yield
    }) : () -> ()
    "tpu.region"() ({
      %run_scoped3A = tpu.sem_alloc : memref<!tpu.dma_semaphore, #tpu.memory_space<semaphore_mem>>
      %dma_start3A = arith.constant 0 : i32
      %dma_start3A_21 = arith.constant 0 : i32
      %dma_start3A_22 = tpu.memref_slice %arg4[%arg1, %dma_start3A, %dma_start3A_21] : memref<16x80x128xi32, #tpu.memory_space<hbm>> -> memref<1x80x128xi32, #tpu.memory_space<hbm>>
      %dma_start3A_23 = tpu.memref_squeeze %dma_start3A_22 : memref<1x80x128xi32, #tpu.memory_space<hbm>> -> memref<80x128xi32, #tpu.memory_space<hbm>>
      %dma_start3A_24 = arith.constant 0 : i32
      %dma_start3A_25 = arith.constant 0 : i32
      %dma_start3A_26 = tpu.memref_slice %arg4[%arg1, %dma_start3A_24, %dma_start3A_25] : memref<16x80x128xi32, #tpu.memory_space<hbm>> -> memref<1x80x128xi32, #tpu.memory_space<hbm>>
      %dma_start3A_27 = tpu.memref_squeeze %dma_start3A_26 : memref<1x80x128xi32, #tpu.memory_space<hbm>> -> memref<80x128xi32, #tpu.memory_space<hbm>>
      tpu.enqueue_dma source(%dma_start3A_27 : memref<80x128xi32, #tpu.memory_space<hbm>>) target(%arg7 : memref<80x128xi32, #tpu.memory_space<vmem>>) target_semaphore(%run_scoped3A : memref<!tpu.dma_semaphore, #tpu.memory_space<semaphore_mem>>)
      %dma_wait3A = arith.constant 0 : i32
      %dma_wait3A_28 = arith.constant 0 : i32
      %dma_wait3A_29 = tpu.memref_slice %arg4[%arg1, %dma_wait3A, %dma_wait3A_28] : memref<16x80x128xi32, #tpu.memory_space<hbm>> -> memref<1x80x128xi32, #tpu.memory_space<hbm>>
      %dma_wait3A_30 = tpu.memref_squeeze %dma_wait3A_29 : memref<1x80x128xi32, #tpu.memory_space<hbm>> -> memref<80x128xi32, #tpu.memory_space<hbm>>
      %dma_wait3A_31 = arith.constant 0 : i32
      %dma_wait3A_32 = arith.constant 0 : i32
      %dma_wait3A_33 = tpu.memref_slice %arg4[%arg1, %dma_wait3A_31, %dma_wait3A_32] : memref<16x80x128xi32, #tpu.memory_space<hbm>> -> memref<1x80x128xi32, #tpu.memory_space<hbm>>
      %dma_wait3A_34 = tpu.memref_squeeze %dma_wait3A_33 : memref<1x80x128xi32, #tpu.memory_space<hbm>> -> memref<80x128xi32, #tpu.memory_space<hbm>>
      tpu.wait_dma2 semaphore(%run_scoped3A : memref<!tpu.dma_semaphore, #tpu.memory_space<semaphore_mem>>) src(%dma_wait3A_34 : memref<80x128xi32, #tpu.memory_space<hbm>>) dst(%arg7 : memref<80x128xi32, #tpu.memory_space<vmem>>)
      tpu.yield
    }) : () -> ()
    %barrier3A = arith.constant 0 : index
    tpu.barrier barrier_id(%barrier3A)
    %scan3A_11 = arith.constant 0 : i32
    %scan3A_12 = arith.constant 0 : i32
    %scan3A_13 = arith.constant 80 : i32
    %scan3A_14 = arith.addi %scan3A_12, %scan3A_13 : i32
    %scan3A_15 = arith.constant 1 : i32
    scf.for %scan3A_21 = %scan3A_12 to %scan3A_14 step %scan3A_15  : i32 {
      %dma_start3A = arith.constant 0 : i32
      %dma_start3A_22 = tpu.memref_slice %arg6[%scan3A_21, %dma_start3A] : memref<80x128xi32, #tpu.memory_space<vmem>> -> memref<1x128xi32, #tpu.memory_space<vmem>>
      %dma_start3A_23 = tpu.memref_squeeze %dma_start3A_22 : memref<1x128xi32, #tpu.memory_space<vmem>> -> memref<128xi32, #tpu.memory_space<vmem>>
      %dma_start3A_24 = arith.constant 0 : i32
      %dma_start3A_25 = arith.constant 0 : i32
      %dma_start3A_26 = tpu.memref_slice %arg2[%dma_start3A_24, %dma_start3A_25] : memref<20480x128xf32, #tpu.memory_space<hbm>> -> memref<20480x128xf32, #tpu.memory_space<hbm>>
      tpu.enqueue_indirect_dma source(%dma_start3A_26 : memref<20480x128xf32, #tpu.memory_space<hbm>>) target(%arg8 : memref<128x128xf32, #tpu.memory_space<vmem>>) offsets(%dma_start3A_23 : memref<128xi32, #tpu.memory_space<vmem>>) semaphore(%arg11 : memref<!tpu.dma_semaphore, #tpu.memory_space<semaphore_mem>>)
      %dma_wait3A = arith.constant 0 : i32
      %dma_wait3A_27 = tpu.memref_slice %arg6[%scan3A_21, %dma_wait3A] : memref<80x128xi32, #tpu.memory_space<vmem>> -> memref<1x128xi32, #tpu.memory_space<vmem>>
      %dma_wait3A_28 = tpu.memref_squeeze %dma_wait3A_27 : memref<1x128xi32, #tpu.memory_space<vmem>> -> memref<128xi32, #tpu.memory_space<vmem>>
      %dma_wait3A_29 = arith.constant 0 : i32
      %dma_wait3A_30 = arith.constant 0 : i32
      %dma_wait3A_31 = tpu.memref_slice %arg2[%dma_wait3A_29, %dma_wait3A_30] : memref<20480x128xf32, #tpu.memory_space<hbm>> -> memref<20480x128xf32, #tpu.memory_space<hbm>>
      tpu.wait_indirect_dma semaphore(%arg11 : memref<!tpu.dma_semaphore, #tpu.memory_space<semaphore_mem>>) src(%dma_wait3A_31 : memref<20480x128xf32, #tpu.memory_space<hbm>>) dst(%arg8 : memref<128x128xf32, #tpu.memory_space<vmem>>)
      "tpu.region"() ({
        %run_scoped3A = tpu.sem_alloc : memref<!tpu.dma_semaphore, #tpu.memory_space<semaphore_mem>>
        %dma_start3A_32 = arith.constant 0 : i32
        %dma_start3A_33 = tpu.memref_slice %arg7[%scan3A_21, %dma_start3A_32] : memref<80x128xi32, #tpu.memory_space<vmem>> -> memref<1x128xi32, #tpu.memory_space<vmem>>
        %dma_start3A_34 = tpu.memref_squeeze %dma_start3A_33 : memref<1x128xi32, #tpu.memory_space<vmem>> -> memref<128xi32, #tpu.memory_space<vmem>>
        %dma_start3A_35 = arith.constant 0 : i32
        %dma_start3A_36 = arith.constant 0 : i32
        %dma_start3A_37 = tpu.memref_slice %arg10[%dma_start3A_35, %dma_start3A_36] : memref<10240x128xf32, #tpu.memory_space<vmem_shared>> -> memref<10240x128xf32, #tpu.memory_space<vmem_shared>>
        tpu.enqueue_indirect_dma source(%arg8 : memref<128x128xf32, #tpu.memory_space<vmem>>) target(%dma_start3A_37 : memref<10240x128xf32, #tpu.memory_space<vmem_shared>>) offsets(%dma_start3A_34 : memref<128xi32, #tpu.memory_space<vmem>>) semaphore(%run_scoped3A : memref<!tpu.dma_semaphore, #tpu.memory_space<semaphore_mem>>) {add = true}
        %dma_wait3A_38 = arith.constant 0 : i32
        %dma_wait3A_39 = tpu.memref_slice %arg7[%scan3A_21, %dma_wait3A_38] : memref<80x128xi32, #tpu.memory_space<vmem>> -> memref<1x128xi32, #tpu.memory_space<vmem>>
        %dma_wait3A_40 = tpu.memref_squeeze %dma_wait3A_39 : memref<1x128xi32, #tpu.memory_space<vmem>> -> memref<128xi32, #tpu.memory_space<vmem>>
        %dma_wait3A_41 = arith.constant 0 : i32
        %dma_wait3A_42 = arith.constant 0 : i32
        %dma_wait3A_43 = tpu.memref_slice %arg10[%dma_wait3A_41, %dma_wait3A_42] : memref<10240x128xf32, #tpu.memory_space<vmem_shared>> -> memref<10240x128xf32, #tpu.memory_space<vmem_shared>>
        tpu.wait_indirect_dma semaphore(%run_scoped3A : memref<!tpu.dma_semaphore, #tpu.memory_space<semaphore_mem>>) src(%arg8 : memref<128x128xf32, #tpu.memory_space<vmem>>) dst(%dma_wait3A_43 : memref<10240x128xf32, #tpu.memory_space<vmem_shared>>)
        tpu.yield
      }) : () -> ()
    }
    %scan3A_16 = arith.constant 80 : i32
    %barrier3A_17 = arith.constant 0 : index
    tpu.barrier barrier_id(%barrier3A_17)
    %mul3A = arith.constant 640 : i32
    %mul3A_18 = arith.muli %arg1, %mul3A : i32
    %mul3A_19 = arith.constant 10240 : i32
    %mul3A_20 = arith.muli %arg0, %mul3A_19 : i32
    %add3A = arith.addi %mul3A_20, %mul3A_18 : i32
    "tpu.region"() ({
      %run_scoped3A = tpu.sem_alloc : memref<!tpu.dma_semaphore, #tpu.memory_space<semaphore_mem>>
      %dma_start3A = arith.constant 0 : i32
      %dma_start3A_21 = tpu.memref_slice %arg5[%add3A, %dma_start3A] : memref<20480x128xf32, #tpu.memory_space<hbm>> -> memref<640x128xf32, #tpu.memory_space<hbm>>
      %dma_start3A_22 = arith.constant 0 : i32
      %dma_start3A_23 = tpu.memref_slice %arg10[%mul3A_18, %dma_start3A_22] : memref<10240x128xf32, #tpu.memory_space<vmem_shared>> -> memref<640x128xf32, #tpu.memory_space<vmem_shared>>
      tpu.enqueue_dma source(%dma_start3A_23 : memref<640x128xf32, #tpu.memory_space<vmem_shared>>) target(%dma_start3A_21 : memref<640x128xf32, #tpu.memory_space<hbm>>) target_semaphore(%run_scoped3A : memref<!tpu.dma_semaphore, #tpu.memory_space<semaphore_mem>>)
      %dma_wait3A = arith.constant 0 : i32
      %dma_wait3A_24 = tpu.memref_slice %arg5[%add3A, %dma_wait3A] : memref<20480x128xf32, #tpu.memory_space<hbm>> -> memref<640x128xf32, #tpu.memory_space<hbm>>
      %dma_wait3A_25 = arith.constant 0 : i32
      %dma_wait3A_26 = tpu.memref_slice %arg10[%mul3A_18, %dma_wait3A_25] : memref<10240x128xf32, #tpu.memory_space<vmem_shared>> -> memref<640x128xf32, #tpu.memory_space<vmem_shared>>
      tpu.wait_dma2 semaphore(%run_scoped3A : memref<!tpu.dma_semaphore, #tpu.memory_space<semaphore_mem>>) src(%dma_wait3A_26 : memref<640x128xf32, #tpu.memory_space<vmem_shared>>) dst(%dma_wait3A_24 : memref<640x128xf32, #tpu.memory_space<hbm>>)
      tpu.yield
    }) : () -> ()
    return
  }
}

#map = affine_map<(d0, d1) -> (0, 0)>
#map1 = affine_map<(d0, d1) -> (0, 0, 0, 0)>
#map2 = affine_map<(d0, d1) -> (0, 0, 0)>
module attributes {stable_mosaic.version = 14 : i64} {
  func.func @_sc_body(%arg0: i32, %arg1: i32, %arg2: memref<20480x128xf32, #tpu.memory_space<hbm>>, %arg3: memref<2x16x80x128xi32, #tpu.memory_space<hbm>>, %arg4: memref<16x80x128xi32, #tpu.memory_space<hbm>>, %arg5: memref<20480x128xf32, #tpu.memory_space<hbm>>, %arg6: memref<80x128xi32, #tpu.memory_space<vmem>>, %arg7: memref<80x128xi32, #tpu.memory_space<vmem>>, %arg8: memref<128x128xf32, #tpu.memory_space<vmem>>, %arg9: memref<128x128xf32, #tpu.memory_space<vmem>>, %arg10: memref<10240x128xf32, #tpu.memory_space<vmem_shared>>, %arg11: memref<!tpu.dma_semaphore, #tpu.memory_space<semaphore_mem>>) attributes {dimension_semantics = [#tpu.dimension_semantics<core_parallel>, #tpu.dimension_semantics<subcore_parallel>], iteration_bounds = array<i64: 2, 16>, scalar_prefetch = 0 : i64, scratch_operands = 6 : i64, tpu.core_type = #tpu.core_type<sc_vector_subcore>, window_params = [{transform_indices = #map}, {transform_indices = #map1}, {transform_indices = #map2}, {transform_indices = #map}]} {
    %scan3A = arith.constant 0 : i32
    %scan3A_0 = arith.constant 0 : i32
    %scan3A_1 = arith.constant 1024 : i32
    %scan3A_2 = arith.addi %scan3A_0, %scan3A_1 : i32
    %scan3A_3 = arith.constant 1 : i32
    scf.for %scan3A_21 = %scan3A_0 to %scan3A_2 step %scan3A_3  : i32 {
      %jit3A = arith.constant 8 : i32
      %div3A = arith.divsi %scan3A_21, %jit3A : i32
      %sign3A = arith.constant 0 : i32
      %sign3A_22 = arith.cmpi sgt, %scan3A_21, %sign3A : i32
      %sign3A_23 = arith.extui %sign3A_22 : i1 to i32
      %sign3A_24 = arith.constant 0 : i32
      %sign3A_25 = arith.cmpi slt, %scan3A_21, %sign3A_24 : i32
      %sign3A_26 = arith.extui %sign3A_25 : i1 to i32
      %sign3A_27 = arith.subi %sign3A_23, %sign3A_26 : i32
      %sign3A_28 = arith.constant 0 : i32
      %sign3A_29 = arith.cmpi sgt, %jit3A, %sign3A_28 : i32
      %sign3A_30 = arith.extui %sign3A_29 : i1 to i32
      %sign3A_31 = arith.constant 0 : i32
      %sign3A_32 = arith.cmpi slt, %jit3A, %sign3A_31 : i32
      %sign3A_33 = arith.extui %sign3A_32 : i1 to i32
      %sign3A_34 = arith.subi %sign3A_30, %sign3A_33 : i32
      %ne3A = arith.cmpi ne, %sign3A_27, %sign3A_34 : i32
      %rem3A = arith.remsi %scan3A_21, %jit3A : i32
      %ne3A_35 = arith.constant 0 : i32
      %ne3A_36 = arith.cmpi ne, %rem3A, %ne3A_35 : i32
      %and3A = arith.andi %ne3A, %ne3A_36 : i1
      %sub3A = arith.constant 1 : i32
      %sub3A_37 = arith.subi %div3A, %sub3A : i32
      %select_n3A = arith.select %and3A, %sub3A_37, %div3A : i32
      %jit3A_38 = arith.constant 8 : i32
      %eq3A = arith.constant 0 : i32
      %eq3A_39 = arith.cmpi eq, %jit3A_38, %eq3A : i32
      %jit3A_40 = arith.constant 1 : i32
      %select_n3A_41 = arith.select %eq3A_39, %jit3A_40, %jit3A_38 : i32
      %rem3A_42 = arith.remsi %scan3A_21, %select_n3A_41 : i32
      %ne3A_43 = arith.constant 0 : i32
      %ne3A_44 = arith.cmpi ne, %rem3A_42, %ne3A_43 : i32
      %lt3A = arith.constant 0 : i32
      %lt3A_45 = arith.cmpi slt, %rem3A_42, %lt3A : i32
      %lt3A_46 = arith.constant 0 : i32
      %lt3A_47 = arith.cmpi slt, %select_n3A_41, %lt3A_46 : i32
      %ne3A_48 = arith.xori %lt3A_45, %lt3A_47 : i1
      %and3A_49 = arith.andi %ne3A_48, %ne3A_44 : i1
      %add3A_50 = arith.addi %rem3A_42, %select_n3A_41 : i32
      %select_n3A_51 = arith.select %and3A_49, %add3A_50, %rem3A_42 : i32
      %mul3A_52 = arith.constant 16 : i32
      %mul3A_53 = arith.muli %select_n3A_51, %mul3A_52 : i32
      %broadcast_in_dim3A = arith.constant 0.000000e+00 : f32
      %broadcast_in_dim3A_54 = vector.broadcast %broadcast_in_dim3A : f32 to vector<16xf32>
      %swap3A = arith.index_cast %select_n3A : i32 to index
      %swap3A_55 = arith.index_cast %mul3A_53 : i32 to index
      %swap3A_56 = tpu.vector_load %arg8[%swap3A, %swap3A_55] {strides = array<i32>} : memref<128x128xf32, #tpu.memory_space<vmem>>, vector<1x16xf32>,
      %swap3A_57 = vector.shape_cast %swap3A_56 : vector<1x16xf32> to vector<16xf32>
      %swap3A_58 = vector.shape_cast %broadcast_in_dim3A_54 : vector<16xf32> to vector<1x16xf32>
      tpu.vector_store %arg8[%swap3A, %swap3A_55], %swap3A_58 {strides = array<i32>} : memref<128x128xf32, #tpu.memory_space<vmem>>, vector<1x16xf32>,
    }
    %scan3A_4 = arith.constant 1024 : i32
    %scan3A_5 = arith.constant 0 : i32
    %scan3A_6 = arith.constant 0 : i32
    %scan3A_7 = arith.constant 5 : i32
    %scan3A_8 = arith.addi %scan3A_6, %scan3A_7 : i32
    %scan3A_9 = arith.constant 1 : i32
    scf.for %scan3A_21 = %scan3A_6 to %scan3A_8 step %scan3A_9  : i32 {
      %mul3A_22 = arith.constant 640 : i32
      %mul3A_23 = arith.muli %arg1, %mul3A_22 : i32
      %mul3A_24 = arith.constant 128 : i32
      %mul3A_25 = arith.muli %scan3A_21, %mul3A_24 : i32
      %add3A_26 = arith.addi %mul3A_23, %mul3A_25 : i32
      "tpu.region"() ({
        %run_scoped3A = tpu.sem_alloc : memref<!tpu.dma_semaphore, #tpu.memory_space<semaphore_mem>>
        %dma_start3A = arith.constant 0 : i32
        %dma_start3A_27 = tpu.memref_slice %arg10[%add3A_26, %dma_start3A] : memref<10240x128xf32, #tpu.memory_space<vmem_shared>> -> memref<128x128xf32, #tpu.memory_space<vmem_shared>>
        %dma_start3A_28 = arith.constant 0 : i32
        %dma_start3A_29 = tpu.memref_slice %arg10[%add3A_26, %dma_start3A_28] : memref<10240x128xf32, #tpu.memory_space<vmem_shared>> -> memref<128x128xf32, #tpu.memory_space<vmem_shared>>
        tpu.enqueue_dma source(%arg8 : memref<128x128xf32, #tpu.memory_space<vmem>>) target(%dma_start3A_29 : memref<128x128xf32, #tpu.memory_space<vmem_shared>>) target_semaphore(%run_scoped3A : memref<!tpu.dma_semaphore, #tpu.memory_space<semaphore_mem>>)
        %dma_wait3A = arith.constant 0 : i32
        %dma_wait3A_30 = tpu.memref_slice %arg10[%add3A_26, %dma_wait3A] : memref<10240x128xf32, #tpu.memory_space<vmem_shared>> -> memref<128x128xf32, #tpu.memory_space<vmem_shared>>
        %dma_wait3A_31 = arith.constant 0 : i32
        %dma_wait3A_32 = tpu.memref_slice %arg10[%add3A_26, %dma_wait3A_31] : memref<10240x128xf32, #tpu.memory_space<vmem_shared>> -> memref<128x128xf32, #tpu.memory_space<vmem_shared>>
        tpu.wait_dma2 semaphore(%run_scoped3A : memref<!tpu.dma_semaphore, #tpu.memory_space<semaphore_mem>>) src(%arg8 : memref<128x128xf32, #tpu.memory_space<vmem>>) dst(%dma_wait3A_32 : memref<128x128xf32, #tpu.memory_space<vmem_shared>>)
        tpu.yield
      }) : () -> ()
    }
    %scan3A_10 = arith.constant 5 : i32
    "tpu.region"() ({
      %run_scoped3A = tpu.sem_alloc : memref<!tpu.dma_semaphore, #tpu.memory_space<semaphore_mem>>
      %dma_start3A = arith.constant 0 : i32
      %dma_start3A_21 = arith.constant 0 : i32
      %dma_start3A_22 = arith.constant 0 : i32
      %dma_start3A_23 = tpu.memref_slice %arg3[%arg0, %dma_start3A, %dma_start3A_21, %dma_start3A_22] : memref<2x16x80x128xi32, #tpu.memory_space<hbm>> -> memref<1x16x80x128xi32, #tpu.memory_space<hbm>>
      %dma_start3A_24 = tpu.memref_squeeze %dma_start3A_23 : memref<1x16x80x128xi32, #tpu.memory_space<hbm>> -> memref<16x80x128xi32, #tpu.memory_space<hbm>>
      %dma_start3A_25 = arith.constant 0 : i32
      %dma_start3A_26 = arith.constant 0 : i32
      %dma_start3A_27 = tpu.memref_slice %dma_start3A_24[%arg1, %dma_start3A_25, %dma_start3A_26] : memref<16x80x128xi32, #tpu.memory_space<hbm>> -> memref<1x80x128xi32, #tpu.memory_space<hbm>>
      %dma_start3A_28 = tpu.memref_squeeze %dma_start3A_27 : memref<1x80x128xi32, #tpu.memory_space<hbm>> -> memref<80x128xi32, #tpu.memory_space<hbm>>
      %dma_start3A_29 = arith.constant 0 : i32
      %dma_start3A_30 = arith.constant 0 : i32
      %dma_start3A_31 = arith.constant 0 : i32
      %dma_start3A_32 = tpu.memref_slice %arg3[%arg0, %dma_start3A_29, %dma_start3A_30, %dma_start3A_31] : memref<2x16x80x128xi32, #tpu.memory_space<hbm>> -> memref<1x16x80x128xi32, #tpu.memory_space<hbm>>
      %dma_start3A_33 = tpu.memref_squeeze %dma_start3A_32 : memref<1x16x80x128xi32, #tpu.memory_space<hbm>> -> memref<16x80x128xi32, #tpu.memory_space<hbm>>
      %dma_start3A_34 = arith.constant 0 : i32
      %dma_start3A_35 = arith.constant 0 : i32
      %dma_start3A_36 = tpu.memref_slice %dma_start3A_33[%arg1, %dma_start3A_34, %dma_start3A_35] : memref<16x80x128xi32, #tpu.memory_space<hbm>> -> memref<1x80x128xi32, #tpu.memory_space<hbm>>
      %dma_start3A_37 = tpu.memref_squeeze %dma_start3A_36 : memref<1x80x128xi32, #tpu.memory_space<hbm>> -> memref<80x128xi32, #tpu.memory_space<hbm>>
      tpu.enqueue_dma source(%dma_start3A_37 : memref<80x128xi32, #tpu.memory_space<hbm>>) target(%arg6 : memref<80x128xi32, #tpu.memory_space<vmem>>) target_semaphore(%run_scoped3A : memref<!tpu.dma_semaphore, #tpu.memory_space<semaphore_mem>>)
      %dma_wait3A = arith.constant 0 : i32
      %dma_wait3A_38 = arith.constant 0 : i32
      %dma_wait3A_39 = arith.constant 0 : i32
      %dma_wait3A_40 = tpu.memref_slice %arg3[%arg0, %dma_wait3A, %dma_wait3A_38, %dma_wait3A_39] : memref<2x16x80x128xi32, #tpu.memory_space<hbm>> -> memref<1x16x80x128xi32, #tpu.memory_space<hbm>>
      %dma_wait3A_41 = tpu.memref_squeeze %dma_wait3A_40 : memref<1x16x80x128xi32, #tpu.memory_space<hbm>> -> memref<16x80x128xi32, #tpu.memory_space<hbm>>
      %dma_wait3A_42 = arith.constant 0 : i32
      %dma_wait3A_43 = arith.constant 0 : i32
      %dma_wait3A_44 = tpu.memref_slice %dma_wait3A_41[%arg1, %dma_wait3A_42, %dma_wait3A_43] : memref<16x80x128xi32, #tpu.memory_space<hbm>> -> memref<1x80x128xi32, #tpu.memory_space<hbm>>
      %dma_wait3A_45 = tpu.memref_squeeze %dma_wait3A_44 : memref<1x80x128xi32, #tpu.memory_space<hbm>> -> memref<80x128xi32, #tpu.memory_space<hbm>>
      %dma_wait3A_46 = arith.constant 0 : i32
      %dma_wait3A_47 = arith.constant 0 : i32
      %dma_wait3A_48 = arith.constant 0 : i32
      %dma_wait3A_49 = tpu.memref_slice %arg3[%arg0, %dma_wait3A_46, %dma_wait3A_47, %dma_wait3A_48] : memref<2x16x80x128xi32, #tpu.memory_space<hbm>> -> memref<1x16x80x128xi32, #tpu.memory_space<hbm>>
      %dma_wait3A_50 = tpu.memref_squeeze %dma_wait3A_49 : memref<1x16x80x128xi32, #tpu.memory_space<hbm>> -> memref<16x80x128xi32, #tpu.memory_space<hbm>>
      %dma_wait3A_51 = arith.constant 0 : i32
      %dma_wait3A_52 = arith.constant 0 : i32
      %dma_wait3A_53 = tpu.memref_slice %dma_wait3A_50[%arg1, %dma_wait3A_51, %dma_wait3A_52] : memref<16x80x128xi32, #tpu.memory_space<hbm>> -> memref<1x80x128xi32, #tpu.memory_space<hbm>>
      %dma_wait3A_54 = tpu.memref_squeeze %dma_wait3A_53 : memref<1x80x128xi32, #tpu.memory_space<hbm>> -> memref<80x128xi32, #tpu.memory_space<hbm>>
      tpu.wait_dma2 semaphore(%run_scoped3A : memref<!tpu.dma_semaphore, #tpu.memory_space<semaphore_mem>>) src(%dma_wait3A_54 : memref<80x128xi32, #tpu.memory_space<hbm>>) dst(%arg6 : memref<80x128xi32, #tpu.memory_space<vmem>>)
      tpu.yield
    }) : () -> ()
    "tpu.region"() ({
      %run_scoped3A = tpu.sem_alloc : memref<!tpu.dma_semaphore, #tpu.memory_space<semaphore_mem>>
      %dma_start3A = arith.constant 0 : i32
      %dma_start3A_21 = arith.constant 0 : i32
      %dma_start3A_22 = tpu.memref_slice %arg4[%arg1, %dma_start3A, %dma_start3A_21] : memref<16x80x128xi32, #tpu.memory_space<hbm>> -> memref<1x80x128xi32, #tpu.memory_space<hbm>>
      %dma_start3A_23 = tpu.memref_squeeze %dma_start3A_22 : memref<1x80x128xi32, #tpu.memory_space<hbm>> -> memref<80x128xi32, #tpu.memory_space<hbm>>
      %dma_start3A_24 = arith.constant 0 : i32
      %dma_start3A_25 = arith.constant 0 : i32
      %dma_start3A_26 = tpu.memref_slice %arg4[%arg1, %dma_start3A_24, %dma_start3A_25] : memref<16x80x128xi32, #tpu.memory_space<hbm>> -> memref<1x80x128xi32, #tpu.memory_space<hbm>>
      %dma_start3A_27 = tpu.memref_squeeze %dma_start3A_26 : memref<1x80x128xi32, #tpu.memory_space<hbm>> -> memref<80x128xi32, #tpu.memory_space<hbm>>
      tpu.enqueue_dma source(%dma_start3A_27 : memref<80x128xi32, #tpu.memory_space<hbm>>) target(%arg7 : memref<80x128xi32, #tpu.memory_space<vmem>>) target_semaphore(%run_scoped3A : memref<!tpu.dma_semaphore, #tpu.memory_space<semaphore_mem>>)
      %dma_wait3A = arith.constant 0 : i32
      %dma_wait3A_28 = arith.constant 0 : i32
      %dma_wait3A_29 = tpu.memref_slice %arg4[%arg1, %dma_wait3A, %dma_wait3A_28] : memref<16x80x128xi32, #tpu.memory_space<hbm>> -> memref<1x80x128xi32, #tpu.memory_space<hbm>>
      %dma_wait3A_30 = tpu.memref_squeeze %dma_wait3A_29 : memref<1x80x128xi32, #tpu.memory_space<hbm>> -> memref<80x128xi32, #tpu.memory_space<hbm>>
      %dma_wait3A_31 = arith.constant 0 : i32
      %dma_wait3A_32 = arith.constant 0 : i32
      %dma_wait3A_33 = tpu.memref_slice %arg4[%arg1, %dma_wait3A_31, %dma_wait3A_32] : memref<16x80x128xi32, #tpu.memory_space<hbm>> -> memref<1x80x128xi32, #tpu.memory_space<hbm>>
      %dma_wait3A_34 = tpu.memref_squeeze %dma_wait3A_33 : memref<1x80x128xi32, #tpu.memory_space<hbm>> -> memref<80x128xi32, #tpu.memory_space<hbm>>
      tpu.wait_dma2 semaphore(%run_scoped3A : memref<!tpu.dma_semaphore, #tpu.memory_space<semaphore_mem>>) src(%dma_wait3A_34 : memref<80x128xi32, #tpu.memory_space<hbm>>) dst(%arg7 : memref<80x128xi32, #tpu.memory_space<vmem>>)
      tpu.yield
    }) : () -> ()
    %barrier3A = arith.constant 0 : index
    tpu.barrier barrier_id(%barrier3A)
    %scan3A_11 = arith.constant 0 : i32
    %scan3A_12 = arith.constant 0 : i32
    %scan3A_13 = arith.constant 80 : i32
    %scan3A_14 = arith.addi %scan3A_12, %scan3A_13 : i32
    %scan3A_15 = arith.constant 1 : i32
    scf.for %scan3A_21 = %scan3A_12 to %scan3A_14 step %scan3A_15  : i32 {
      %dma_start3A = arith.constant 0 : i32
      %dma_start3A_22 = tpu.memref_slice %arg6[%scan3A_21, %dma_start3A] : memref<80x128xi32, #tpu.memory_space<vmem>> -> memref<1x128xi32, #tpu.memory_space<vmem>>
      %dma_start3A_23 = tpu.memref_squeeze %dma_start3A_22 : memref<1x128xi32, #tpu.memory_space<vmem>> -> memref<128xi32, #tpu.memory_space<vmem>>
      %dma_start3A_24 = arith.constant 0 : i32
      %dma_start3A_25 = arith.constant 0 : i32
      %dma_start3A_26 = tpu.memref_slice %arg2[%dma_start3A_24, %dma_start3A_25] : memref<20480x128xf32, #tpu.memory_space<hbm>> -> memref<20480x128xf32, #tpu.memory_space<hbm>>
      tpu.enqueue_indirect_dma source(%dma_start3A_26 : memref<20480x128xf32, #tpu.memory_space<hbm>>) target(%arg8 : memref<128x128xf32, #tpu.memory_space<vmem>>) offsets(%dma_start3A_23 : memref<128xi32, #tpu.memory_space<vmem>>) semaphore(%arg11 : memref<!tpu.dma_semaphore, #tpu.memory_space<semaphore_mem>>)
      %dma_wait3A = arith.constant 0 : i32
      %dma_wait3A_27 = tpu.memref_slice %arg6[%scan3A_21, %dma_wait3A] : memref<80x128xi32, #tpu.memory_space<vmem>> -> memref<1x128xi32, #tpu.memory_space<vmem>>
      %dma_wait3A_28 = tpu.memref_squeeze %dma_wait3A_27 : memref<1x128xi32, #tpu.memory_space<vmem>> -> memref<128xi32, #tpu.memory_space<vmem>>
      %dma_wait3A_29 = arith.constant 0 : i32
      %dma_wait3A_30 = arith.constant 0 : i32
      %dma_wait3A_31 = tpu.memref_slice %arg2[%dma_wait3A_29, %dma_wait3A_30] : memref<20480x128xf32, #tpu.memory_space<hbm>> -> memref<20480x128xf32, #tpu.memory_space<hbm>>
      tpu.wait_indirect_dma semaphore(%arg11 : memref<!tpu.dma_semaphore, #tpu.memory_space<semaphore_mem>>) src(%dma_wait3A_31 : memref<20480x128xf32, #tpu.memory_space<hbm>>) dst(%arg8 : memref<128x128xf32, #tpu.memory_space<vmem>>)
      "tpu.region"() ({
        %run_scoped3A = tpu.sem_alloc : memref<!tpu.dma_semaphore, #tpu.memory_space<semaphore_mem>>
        %dma_start3A_32 = arith.constant 0 : i32
        %dma_start3A_33 = tpu.memref_slice %arg7[%scan3A_21, %dma_start3A_32] : memref<80x128xi32, #tpu.memory_space<vmem>> -> memref<1x128xi32, #tpu.memory_space<vmem>>
        %dma_start3A_34 = tpu.memref_squeeze %dma_start3A_33 : memref<1x128xi32, #tpu.memory_space<vmem>> -> memref<128xi32, #tpu.memory_space<vmem>>
        %dma_start3A_35 = arith.constant 0 : i32
        %dma_start3A_36 = arith.constant 0 : i32
        %dma_start3A_37 = tpu.memref_slice %arg10[%dma_start3A_35, %dma_start3A_36] : memref<10240x128xf32, #tpu.memory_space<vmem_shared>> -> memref<10240x128xf32, #tpu.memory_space<vmem_shared>>
        tpu.enqueue_indirect_dma source(%arg8 : memref<128x128xf32, #tpu.memory_space<vmem>>) target(%dma_start3A_37 : memref<10240x128xf32, #tpu.memory_space<vmem_shared>>) offsets(%dma_start3A_34 : memref<128xi32, #tpu.memory_space<vmem>>) semaphore(%run_scoped3A : memref<!tpu.dma_semaphore, #tpu.memory_space<semaphore_mem>>) {add = true}
        %dma_wait3A_38 = arith.constant 0 : i32
        %dma_wait3A_39 = tpu.memref_slice %arg7[%scan3A_21, %dma_wait3A_38] : memref<80x128xi32, #tpu.memory_space<vmem>> -> memref<1x128xi32, #tpu.memory_space<vmem>>
        %dma_wait3A_40 = tpu.memref_squeeze %dma_wait3A_39 : memref<1x128xi32, #tpu.memory_space<vmem>> -> memref<128xi32, #tpu.memory_space<vmem>>
        %dma_wait3A_41 = arith.constant 0 : i32
        %dma_wait3A_42 = arith.constant 0 : i32
        %dma_wait3A_43 = tpu.memref_slice %arg10[%dma_wait3A_41, %dma_wait3A_42] : memref<10240x128xf32, #tpu.memory_space<vmem_shared>> -> memref<10240x128xf32, #tpu.memory_space<vmem_shared>>
        tpu.wait_indirect_dma semaphore(%run_scoped3A : memref<!tpu.dma_semaphore, #tpu.memory_space<semaphore_mem>>) src(%arg8 : memref<128x128xf32, #tpu.memory_space<vmem>>) dst(%dma_wait3A_43 : memref<10240x128xf32, #tpu.memory_space<vmem_shared>>)
        tpu.yield
      }) : () -> ()
    }
    %scan3A_16 = arith.constant 80 : i32
    %barrier3A_17 = arith.constant 0 : index
    tpu.barrier barrier_id(%barrier3A_17)
    %mul3A = arith.constant 640 : i32
    %mul3A_18 = arith.muli %arg1, %mul3A : i32
    %mul3A_19 = arith.constant 10240 : i32
    %mul3A_20 = arith.muli %arg0, %mul3A_19 : i32
    %add3A = arith.addi %mul3A_20, %mul3A_18 : i32
    "tpu.region"() ({
      %run_scoped3A = tpu.sem_alloc : memref<!tpu.dma_semaphore, #tpu.memory_space<semaphore_mem>>
      %dma_start3A = arith.constant 0 : i32
      %dma_start3A_21 = tpu.memref_slice %arg5[%add3A, %dma_start3A] : memref<20480x128xf32, #tpu.memory_space<hbm>> -> memref<640x128xf32, #tpu.memory_space<hbm>>
      %dma_start3A_22 = arith.constant 0 : i32
      %dma_start3A_23 = tpu.memref_slice %arg10[%mul3A_18, %dma_start3A_22] : memref<10240x128xf32, #tpu.memory_space<vmem_shared>> -> memref<640x128xf32, #tpu.memory_space<vmem_shared>>
      tpu.enqueue_dma source(%dma_start3A_23 : memref<640x128xf32, #tpu.memory_space<vmem_shared>>) target(%dma_start3A_21 : memref<640x128xf32, #tpu.memory_space<hbm>>) target_semaphore(%run_scoped3A : memref<!tpu.dma_semaphore, #tpu.memory_space<semaphore_mem>>)
      %dma_wait3A = arith.constant 0 : i32
      %dma_wait3A_24 = tpu.memref_slice %arg5[%add3A, %dma_wait3A] : memref<20480x128xf32, #tpu.memory_space<hbm>> -> memref<640x128xf32, #tpu.memory_space<hbm>>
      %dma_wait3A_25 = arith.constant 0 : i32
      %dma_wait3A_26 = tpu.memref_slice %arg10[%mul3A_18, %dma_wait3A_25] : memref<10240x128xf32, #tpu.memory_space<vmem_shared>> -> memref<640x128xf32, #tpu.memory_space<vmem_shared>>
      tpu.wait_dma2 semaphore(%run_scoped3A : memref<!tpu.dma_semaphore, #tpu.memory_space<semaphore_mem>>) src(%dma_wait3A_26 : memref<640x128xf32, #tpu.memory_space<vmem_shared>>) dst(%dma_wait3A_24 : memref<640x128xf32, #tpu.memory_space<hbm>>)
      tpu.yield
    }) : () -> ()
    return
  }
}

module attributes {stable_mosaic.version = 14 : i64} {
  func.func @_mm1_body(%arg0: i32, %arg1: i32, %arg2: memref<1024x256xf32, #tpu.memory_space<vmem>>, %arg3: memref<128x256xf32, #tpu.memory_space<vmem>>, %arg4: memref<128x256xf32, #tpu.memory_space<vmem>>, %arg5: memref<1x128xf32, #tpu.memory_space<vmem>>, %arg6: memref<1024x128xf32, #tpu.memory_space<vmem>>, %arg7: memref<1024x128xf32, #tpu.memory_space<vmem>>) attributes {dimension_semantics = [#tpu.dimension_semantics<arbitrary>, #tpu.dimension_semantics<arbitrary>], iteration_bounds = array<i64: 2, 10>, scalar_prefetch = 0 : i64, scratch_operands = 0 : i64, tpu.core_type = #tpu.core_type<tc>, window_params = [{transform_indices = @transform_0, window_bounds = array<i64: 1024, 256>}, {transform_indices = @transform_1, window_bounds = array<i64: 128, 256>}, {transform_indices = @transform_2, window_bounds = array<i64: 128, 256>}, {transform_indices = @transform_3, window_bounds = array<i64: 1, 128>}, {transform_indices = @transform_4, window_bounds = array<i64: 1024, 128>}, {transform_indices = @transform_5, window_bounds = array<i64: 1024, 128>}]} {
    %get3A = arith.constant 0 : index
    %get3A_0 = arith.constant 0 : index
    %get3A_1 = vector.load %arg2[%get3A, %get3A_0] : memref<1024x256xf32, #tpu.memory_space<vmem>>, vector<1024x256xf32>
    %get3A_2 = arith.constant 0 : index
    %get3A_3 = arith.constant 0 : index
    %get3A_4 = vector.load %arg3[%get3A_2, %get3A_3] : memref<128x256xf32, #tpu.memory_space<vmem>>, vector<128x256xf32>
    %dot_general3A = arith.constant dense<0.000000e+00> : vector<1024x128xf32>
    %dot_general3A_5 = tpu.matmul %get3A_1, %get3A_4, %dot_general3A {dimension_numbers = #tpu.dot_dimension_numbers<[1], [1], [0], [0], [0, 0, 1, 0], [], []>, transpose_lhs_hint = false} : vector<1024x256xf32>, vector<128x256xf32>, vector<1024x128xf32> -> vector<1024x128xf32>
    %swap3A = arith.constant 0 : index
    %swap3A_6 = arith.constant 0 : index
    %swap3A_7 = vector.load %arg6[%swap3A, %swap3A_6] : memref<1024x128xf32, #tpu.memory_space<vmem>>, vector<1024x128xf32>
    tpu.vector_store %arg6[%swap3A, %swap3A_6], %dot_general3A_5 {strides = array<i32>} : memref<1024x128xf32, #tpu.memory_space<vmem>>, vector<1024x128xf32>,
    %get3A_8 = arith.constant 0 : index
    %get3A_9 = arith.constant 0 : index
    %get3A_10 = vector.load %arg4[%get3A_8, %get3A_9] : memref<128x256xf32, #tpu.memory_space<vmem>>, vector<128x256xf32>
    %dot_general3A_11 = arith.constant dense<0.000000e+00> : vector<1024x128xf32>
    %dot_general3A_12 = tpu.matmul %get3A_1, %get3A_10, %dot_general3A_11 {dimension_numbers = #tpu.dot_dimension_numbers<[1], [1], [0], [0], [0, 0, 1, 0], [], []>, transpose_lhs_hint = false} : vector<1024x256xf32>, vector<128x256xf32>, vector<1024x128xf32> -> vector<1024x128xf32>
    %get3A_13 = arith.constant 0 : index
    %get3A_14 = arith.constant 0 : index
    %get3A_15 = vector.load %arg5[%get3A_13, %get3A_14] : memref<1x128xf32, #tpu.memory_space<vmem>>, vector<1x128xf32>
    %add3A = vector.broadcast %get3A_15 : vector<1x128xf32> to vector<1024x128xf32>
    %add3A_16 = arith.addf %dot_general3A_12, %add3A : vector<1024x128xf32>
    %swap3A_17 = arith.constant 0 : index
    %swap3A_18 = arith.constant 0 : index
    %swap3A_19 = vector.load %arg7[%swap3A_17, %swap3A_18] : memref<1024x128xf32, #tpu.memory_space<vmem>>, vector<1024x128xf32>
    tpu.vector_store %arg7[%swap3A_17, %swap3A_18], %add3A_16 {strides = array<i32>} : memref<1024x128xf32, #tpu.memory_space<vmem>>, vector<1024x128xf32>,
    return
  }
  func.func @transform_0(%arg0: i32, %arg1: i32) -> (i32, i32) {
    %c0_i32 = arith.constant 0 : i32
    %c0_i32_0 = arith.constant 0 : i32
    return %arg1, %c0_i32 : i32, i32
  }
  func.func @transform_1(%arg0: i32, %arg1: i32) -> (i32, i32) {
    %c0_i32 = arith.constant 0 : i32
    %c0_i32_0 = arith.constant 0 : i32
    return %arg0, %c0_i32 : i32, i32
  }
  func.func @transform_2(%arg0: i32, %arg1: i32) -> (i32, i32) {
    %c0_i32 = arith.constant 0 : i32
    %c0_i32_0 = arith.constant 0 : i32
    return %arg0, %c0_i32 : i32, i32
  }
  func.func @transform_3(%arg0: i32, %arg1: i32) -> (i32, i32) {
    %c0_i32 = arith.constant 0 : i32
    %c0_i32_0 = arith.constant 0 : i32
    return %c0_i32, %arg0 : i32, i32
  }
  func.func @transform_4(%arg0: i32, %arg1: i32) -> (i32, i32) {
    %mul3A = arith.constant 10 : i32
    %mul3A_0 = arith.muli %arg0, %mul3A : i32
    %add3A = arith.addi %mul3A_0, %arg1 : i32
    %c0_i32 = arith.constant 0 : i32
    %c0_i32_1 = arith.constant 0 : i32
    return %add3A, %c0_i32 : i32, i32
  }
  func.func @transform_5(%arg0: i32, %arg1: i32) -> (i32, i32) {
    %c0_i32 = arith.constant 0 : i32
    return %arg1, %arg0 : i32, i32
  }
}

module attributes {stable_mosaic.version = 14 : i64} {
  func.func @_mm2_body(%arg0: i32, %arg1: i32, %arg2: memref<1024x128xf32, #tpu.memory_space<vmem>>, %arg3: memref<1024x128xf32, #tpu.memory_space<vmem>>, %arg4: memref<1024x128xf32, #tpu.memory_space<vmem>>, %arg5: memref<1024x128xf32, #tpu.memory_space<vmem>>, %arg6: memref<1024x256xf32, #tpu.memory_space<vmem>>, %arg7: memref<128x256xf32, #tpu.memory_space<vmem>>, %arg8: memref<128x256xf32, #tpu.memory_space<vmem>>, %arg9: memref<1x128xf32, #tpu.memory_space<vmem>>, %arg10: memref<1024x128xf32, #tpu.memory_space<vmem>>, %arg11: memref<1024x128xf32, #tpu.memory_space<vmem>>) attributes {dimension_semantics = [#tpu.dimension_semantics<arbitrary>, #tpu.dimension_semantics<arbitrary>], iteration_bounds = array<i64: 2, 10>, scalar_prefetch = 0 : i64, scratch_operands = 0 : i64, tpu.core_type = #tpu.core_type<tc>, window_params = [{transform_indices = @transform_0, window_bounds = array<i64: 1024, 128>}, {transform_indices = @transform_1, window_bounds = array<i64: 1024, 128>}, {transform_indices = @transform_2, window_bounds = array<i64: 1024, 128>}, {transform_indices = @transform_3, window_bounds = array<i64: 1024, 128>}, {transform_indices = @transform_4, window_bounds = array<i64: 1024, 256>}, {transform_indices = @transform_5, window_bounds = array<i64: 128, 256>}, {transform_indices = @transform_6, window_bounds = array<i64: 128, 256>}, {transform_indices = @transform_7, window_bounds = array<i64: 1, 128>}, {transform_indices = @transform_8, window_bounds = array<i64: 1024, 128>}, {transform_indices = @transform_9, window_bounds = array<i64: 1024, 128>}]} {
    %get3A = arith.constant 0 : index
    %get3A_0 = arith.constant 0 : index
    %get3A_1 = vector.load %arg4[%get3A, %get3A_0] : memref<1024x128xf32, #tpu.memory_space<vmem>>, vector<1024x1xf32>
    %get3A_2 = arith.constant 0 : index
    %get3A_3 = arith.constant 0 : index
    %get3A_4 = vector.load %arg5[%get3A_2, %get3A_3] : memref<1024x128xf32, #tpu.memory_space<vmem>>, vector<1024x1xf32>
    %add3A = arith.addf %get3A_1, %get3A_4 : vector<1024x1xf32>
    %max3A = arith.constant 1.000000e+00 : f32
    %max3A_5 = vector.broadcast %max3A : f32 to vector<1024x1xf32>
    %max3A_6 = arith.maximumf %add3A, %max3A_5 : vector<1024x1xf32>
    %div3A = arith.constant 1.000000e+00 : f32
    %div3A_7 = vector.broadcast %div3A : f32 to vector<1024x1xf32>
    %div3A_8 = arith.divf %div3A_7, %max3A_6 : vector<1024x1xf32>
    %get3A_9 = arith.constant 0 : index
    %get3A_10 = arith.constant 0 : index
    %get3A_11 = vector.load %arg2[%get3A_9, %get3A_10] : memref<1024x128xf32, #tpu.memory_space<vmem>>, vector<1024x128xf32>
    %get3A_12 = arith.constant 0 : index
    %get3A_13 = arith.constant 0 : index
    %get3A_14 = vector.load %arg3[%get3A_12, %get3A_13] : memref<1024x128xf32, #tpu.memory_space<vmem>>, vector<1024x128xf32>
    %concatenate3A = tpu.concatenate %get3A_11, %get3A_14 in 1 : vector<1024x128xf32>, vector<1024x128xf32> -> vector<1024x256xf32>
    %mul3A = vector.broadcast %div3A_8 : vector<1024x1xf32> to vector<1024x256xf32>
    %mul3A_15 = arith.mulf %concatenate3A, %mul3A : vector<1024x256xf32>
    %get3A_16 = arith.constant 0 : index
    %get3A_17 = arith.constant 0 : index
    %get3A_18 = vector.load %arg6[%get3A_16, %get3A_17] : memref<1024x256xf32, #tpu.memory_space<vmem>>, vector<1024x256xf32>
    %add3A_19 = arith.addf %mul3A_15, %get3A_18 : vector<1024x256xf32>
    %max3A_20 = arith.constant 0.000000e+00 : f32
    %max3A_21 = vector.broadcast %max3A_20 : f32 to vector<1024x256xf32>
    %max3A_22 = arith.maximumf %add3A_19, %max3A_21 : vector<1024x256xf32>
    %get3A_23 = arith.constant 0 : index
    %get3A_24 = arith.constant 0 : index
    %get3A_25 = vector.load %arg7[%get3A_23, %get3A_24] : memref<128x256xf32, #tpu.memory_space<vmem>>, vector<128x256xf32>
    %dot_general3A = arith.constant dense<0.000000e+00> : vector<1024x128xf32>
    %dot_general3A_26 = tpu.matmul %max3A_22, %get3A_25, %dot_general3A {dimension_numbers = #tpu.dot_dimension_numbers<[1], [1], [0], [0], [0, 0, 1, 0], [], []>, transpose_lhs_hint = false} : vector<1024x256xf32>, vector<128x256xf32>, vector<1024x128xf32> -> vector<1024x128xf32>
    %swap3A = arith.constant 0 : index
    %swap3A_27 = arith.constant 0 : index
    %swap3A_28 = vector.load %arg10[%swap3A, %swap3A_27] : memref<1024x128xf32, #tpu.memory_space<vmem>>, vector<1024x128xf32>
    tpu.vector_store %arg10[%swap3A, %swap3A_27], %dot_general3A_26 {strides = array<i32>} : memref<1024x128xf32, #tpu.memory_space<vmem>>, vector<1024x128xf32>,
    %get3A_29 = arith.constant 0 : index
    %get3A_30 = arith.constant 0 : index
    %get3A_31 = vector.load %arg8[%get3A_29, %get3A_30] : memref<128x256xf32, #tpu.memory_space<vmem>>, vector<128x256xf32>
    %dot_general3A_32 = arith.constant dense<0.000000e+00> : vector<1024x128xf32>
    %dot_general3A_33 = tpu.matmul %max3A_22, %get3A_31, %dot_general3A_32 {dimension_numbers = #tpu.dot_dimension_numbers<[1], [1], [0], [0], [0, 0, 1, 0], [], []>, transpose_lhs_hint = false} : vector<1024x256xf32>, vector<128x256xf32>, vector<1024x128xf32> -> vector<1024x128xf32>
    %get3A_34 = arith.constant 0 : index
    %get3A_35 = arith.constant 0 : index
    %get3A_36 = vector.load %arg9[%get3A_34, %get3A_35] : memref<1x128xf32, #tpu.memory_space<vmem>>, vector<1x128xf32>
    %add3A_37 = vector.broadcast %get3A_36 : vector<1x128xf32> to vector<1024x128xf32>
    %add3A_38 = arith.addf %dot_general3A_33, %add3A_37 : vector<1024x128xf32>
    %swap3A_39 = arith.constant 0 : index
    %swap3A_40 = arith.constant 0 : index
    %swap3A_41 = vector.load %arg11[%swap3A_39, %swap3A_40] : memref<1024x128xf32, #tpu.memory_space<vmem>>, vector<1024x128xf32>
    tpu.vector_store %arg11[%swap3A_39, %swap3A_40], %add3A_38 {strides = array<i32>} : memref<1024x128xf32, #tpu.memory_space<vmem>>, vector<1024x128xf32>,
    return
  }
  func.func @transform_0(%arg0: i32, %arg1: i32) -> (i32, i32) {
    %c0_i32 = arith.constant 0 : i32
    %c0_i32_0 = arith.constant 0 : i32
    return %arg1, %c0_i32 : i32, i32
  }
  func.func @transform_1(%arg0: i32, %arg1: i32) -> (i32, i32) {
    %add3A = arith.constant 10 : i32
    %add3A_0 = arith.addi %add3A, %arg1 : i32
    %c0_i32 = arith.constant 0 : i32
    %c0_i32_1 = arith.constant 0 : i32
    return %add3A_0, %c0_i32 : i32, i32
  }
  func.func @transform_2(%arg0: i32, %arg1: i32) -> (i32, i32) {
    %c0_i32 = arith.constant 0 : i32
    %c0_i32_0 = arith.constant 0 : i32
    return %arg1, %c0_i32 : i32, i32
  }
  func.func @transform_3(%arg0: i32, %arg1: i32) -> (i32, i32) {
    %add3A = arith.constant 10 : i32
    %add3A_0 = arith.addi %add3A, %arg1 : i32
    %c0_i32 = arith.constant 0 : i32
    %c0_i32_1 = arith.constant 0 : i32
    return %add3A_0, %c0_i32 : i32, i32
  }
  func.func @transform_4(%arg0: i32, %arg1: i32) -> (i32, i32) {
    %c0_i32 = arith.constant 0 : i32
    %c0_i32_0 = arith.constant 0 : i32
    return %arg1, %c0_i32 : i32, i32
  }
  func.func @transform_5(%arg0: i32, %arg1: i32) -> (i32, i32) {
    %c0_i32 = arith.constant 0 : i32
    %c0_i32_0 = arith.constant 0 : i32
    return %arg0, %c0_i32 : i32, i32
  }
  func.func @transform_6(%arg0: i32, %arg1: i32) -> (i32, i32) {
    %c0_i32 = arith.constant 0 : i32
    %c0_i32_0 = arith.constant 0 : i32
    return %arg0, %c0_i32 : i32, i32
  }
  func.func @transform_7(%arg0: i32, %arg1: i32) -> (i32, i32) {
    %c0_i32 = arith.constant 0 : i32
    %c0_i32_0 = arith.constant 0 : i32
    return %c0_i32, %arg0 : i32, i32
  }
  func.func @transform_8(%arg0: i32, %arg1: i32) -> (i32, i32) {
    %mul3A = arith.constant 10 : i32
    %mul3A_0 = arith.muli %arg0, %mul3A : i32
    %add3A = arith.addi %mul3A_0, %arg1 : i32
    %c0_i32 = arith.constant 0 : i32
    %c0_i32_1 = arith.constant 0 : i32
    return %add3A, %c0_i32 : i32, i32
  }
  func.func @transform_9(%arg0: i32, %arg1: i32) -> (i32, i32) {
    %c0_i32 = arith.constant 0 : i32
    return %arg1, %arg0 : i32, i32
  }
}

module attributes {stable_mosaic.version = 14 : i64} {
  func.func @_mm3_body(%arg0: i32, %arg1: memref<1024x128xf32, #tpu.memory_space<vmem>>, %arg2: memref<1024x128xf32, #tpu.memory_space<vmem>>, %arg3: memref<1024x128xf32, #tpu.memory_space<vmem>>, %arg4: memref<1024x128xf32, #tpu.memory_space<vmem>>, %arg5: memref<1024x256xf32, #tpu.memory_space<vmem>>, %arg6: memref<1024x256xf32, #tpu.memory_space<vmem>>) attributes {dimension_semantics = [#tpu.dimension_semantics<arbitrary>], iteration_bounds = array<i64: 10>, scalar_prefetch = 0 : i64, scratch_operands = 0 : i64, tpu.core_type = #tpu.core_type<tc>, window_params = [{transform_indices = @transform_0, window_bounds = array<i64: 1024, 128>}, {transform_indices = @transform_1, window_bounds = array<i64: 1024, 128>}, {transform_indices = @transform_2, window_bounds = array<i64: 1024, 128>}, {transform_indices = @transform_3, window_bounds = array<i64: 1024, 128>}, {transform_indices = @transform_4, window_bounds = array<i64: 1024, 256>}, {transform_indices = @transform_5, window_bounds = array<i64: 1024, 256>}]} {
    %get3A = arith.constant 0 : index
    %get3A_0 = arith.constant 0 : index
    %get3A_1 = vector.load %arg3[%get3A, %get3A_0] : memref<1024x128xf32, #tpu.memory_space<vmem>>, vector<1024x1xf32>
    %get3A_2 = arith.constant 0 : index
    %get3A_3 = arith.constant 0 : index
    %get3A_4 = vector.load %arg4[%get3A_2, %get3A_3] : memref<1024x128xf32, #tpu.memory_space<vmem>>, vector<1024x1xf32>
    %add3A = arith.addf %get3A_1, %get3A_4 : vector<1024x1xf32>
    %max3A = arith.constant 1.000000e+00 : f32
    %max3A_5 = vector.broadcast %max3A : f32 to vector<1024x1xf32>
    %max3A_6 = arith.maximumf %add3A, %max3A_5 : vector<1024x1xf32>
    %div3A = arith.constant 1.000000e+00 : f32
    %div3A_7 = vector.broadcast %div3A : f32 to vector<1024x1xf32>
    %div3A_8 = arith.divf %div3A_7, %max3A_6 : vector<1024x1xf32>
    %get3A_9 = arith.constant 0 : index
    %get3A_10 = arith.constant 0 : index
    %get3A_11 = vector.load %arg1[%get3A_9, %get3A_10] : memref<1024x128xf32, #tpu.memory_space<vmem>>, vector<1024x128xf32>
    %get3A_12 = arith.constant 0 : index
    %get3A_13 = arith.constant 0 : index
    %get3A_14 = vector.load %arg2[%get3A_12, %get3A_13] : memref<1024x128xf32, #tpu.memory_space<vmem>>, vector<1024x128xf32>
    %concatenate3A = tpu.concatenate %get3A_11, %get3A_14 in 1 : vector<1024x128xf32>, vector<1024x128xf32> -> vector<1024x256xf32>
    %mul3A = vector.broadcast %div3A_8 : vector<1024x1xf32> to vector<1024x256xf32>
    %mul3A_15 = arith.mulf %concatenate3A, %mul3A : vector<1024x256xf32>
    %get3A_16 = arith.constant 0 : index
    %get3A_17 = arith.constant 0 : index
    %get3A_18 = vector.load %arg5[%get3A_16, %get3A_17] : memref<1024x256xf32, #tpu.memory_space<vmem>>, vector<1024x256xf32>
    %add3A_19 = arith.addf %mul3A_15, %get3A_18 : vector<1024x256xf32>
    %swap3A = arith.constant 0 : index
    %swap3A_20 = arith.constant 0 : index
    %swap3A_21 = vector.load %arg6[%swap3A, %swap3A_20] : memref<1024x256xf32, #tpu.memory_space<vmem>>, vector<1024x256xf32>
    tpu.vector_store %arg6[%swap3A, %swap3A_20], %add3A_19 {strides = array<i32>} : memref<1024x256xf32, #tpu.memory_space<vmem>>, vector<1024x256xf32>,
    return
  }
  func.func @transform_0(%arg0: i32) -> (i32, i32) {
    %c0_i32 = arith.constant 0 : i32
    %c0_i32_0 = arith.constant 0 : i32
    return %arg0, %c0_i32 : i32, i32
  }
  func.func @transform_1(%arg0: i32) -> (i32, i32) {
    %add3A = arith.constant 10 : i32
    %add3A_0 = arith.addi %add3A, %arg0 : i32
    %c0_i32 = arith.constant 0 : i32
    %c0_i32_1 = arith.constant 0 : i32
    return %add3A_0, %c0_i32 : i32, i32
  }
  func.func @transform_2(%arg0: i32) -> (i32, i32) {
    %c0_i32 = arith.constant 0 : i32
    %c0_i32_0 = arith.constant 0 : i32
    return %arg0, %c0_i32 : i32, i32
  }
  func.func @transform_3(%arg0: i32) -> (i32, i32) {
    %add3A = arith.constant 10 : i32
    %add3A_0 = arith.addi %add3A, %arg0 : i32
    %c0_i32 = arith.constant 0 : i32
    %c0_i32_1 = arith.constant 0 : i32
    return %add3A_0, %c0_i32 : i32, i32
  }
  func.func @transform_4(%arg0: i32) -> (i32, i32) {
    %c0_i32 = arith.constant 0 : i32
    %c0_i32_0 = arith.constant 0 : i32
    return %arg0, %c0_i32 : i32, i32
  }
  func.func @transform_5(%arg0: i32) -> (i32, i32) {
    %c0_i32 = arith.constant 0 : i32
    %c0_i32_0 = arith.constant 0 : i32
    return %arg0, %c0_i32 : i32, i32
  }
}

</mosaic_0001>

<sc_bundles>
// kernel: kernel.11.cloned.1.call-start
scs
__scs_entry_jumppad:
0x0: {  	(pc) =	sbr.rel $0x88, $3  }
0x1: {  	(tag) =	ssettag $0x0;
	lr =	simm.s32 $0x1  }
0x2: {  	[smem:$0x3F99] =	sst lr;
	_ =	strace $0xD0000000  }
0x3: {  	_ = 	snop  }
0x4: {  	_ = 	snop  }
0x5: {  	_ = 	snop  }
0x6: {  	_ = 	snop  }
0x7: {  	_ = 	snop  }
__scs_overlays_trampoline_lowered:
0x8: {  	[smem:$0x3FA8] =	sst s0  }
0x9: {  	[smem:$0x3FA9] =	sst s1  }
0xa: {  	[smem:$0x3FAA] =	sst s2  }
0xb: {  	[smem:$0x3FAB] =	sst s3  }
0xc: {  	[smem:$0x3FAC] =	sst s4  }
0xd: {  	[smem:$0x3FAD] =	sst s5  }
0xe: {  	[smem:$0x3FAE] =	sst s6  }
0xf: {  	[smem:$0x3FAF] =	sst s7  }
0x10: {  	[smem:$0x3FB0] =	sst s8  }
0x11: {  	[smem:$0x3FB1] =	sst s9;
	s0 =	simm.s32 @!p0 $0x0  }
0x12: {  	s1 =	sld [smem:$0x3F97];
	s0 =	simm.s32 @p0 $0x1  }
0x13: {  	[smem:$0x3FB2] =	sst s0;
	s0 =	simm.s32 @!p1 $0x0  }
0x14: {  	s2 =	sld [smem:$0x3F96];
	s0 =	simm.s32 @p1 $0x1  }
0x15: {  	[smem:$0x3FB3] =	sst s0;
	s0 =	simm.s32 @!p2 $0x0  }
0x16: {  	s3 =	sld [smem:$0x3FDB];
	s0 =	simm.s32 @p2 $0x1  }
0x17: {  	s4 =	simm.s32 $0x1BF5;
	[smem:$0x3FB5] =	sst s0  }
0x18: {  	s0 =	sld [smem:$0x3F98];
	_ =	swait.ge [sflag:s4], $0x0  }
0x19: {  	s7 =	sld [smem:$0x3F99]  }
0x1a: {  	s8 =	sadd.s32 $0xFFFFE003, lr  }
0x1b: {  	s9 =	sadd.s32 $0xFFFFFEF7, lr;
	s5 =	simm.s32 $0xFFFFFFFF;
	p2 =	slt.u32 s8, $0xFFFFF086  }
0x1c: {  	p1 =	slt.u32 s9, $0xF7A;
	s5 =	simm.s32 @!p2 $0x0  }
0x1d: {  	s5 =	simm.s32 @p1 $0x1;
	p0 =	seq.s32 s7, s2  }
0x1e: {  	s7 =	smul.u32 @!p0 $0xF7A, s2;
	p2 =	seq.s32 @!p0 s5, $0x0  }
0x1f: {  	s9 =	smul.u32 $0xF7A, s1;
	s8 =	simm.s32 @!p0 $0x1BF5;
	p2 =	por !p2, p0  }
0x20: {  	[sflag:s8] =	ssyncset.s32 @!p0 $0xFFFFF086;
	s6 =	sadd.s32 @!p0 s3, s7;
	s7 =	simm.s32 @!p0 $0x108  }
0x21: {  	s3 =	sadd.s32 s3, s9;
	s6 =	sadd.s32 @!p0 $0x88, s6;
	s7 =	simm.s32 @p2 $0x1082  }
0x22: {  	[simem:s7], [sflag:s8] =	dma.local @!p0 [hbm:s6], $0xF7A  }
0x23: {  	s9 =	sor.u32 $0xD0000000, s2;
	s6 =	simm.s32 $0x108;
	_ =	swait.ge @!p0 [sflag:s8], $0x0  }
0x24: {  	s3 =	sadd.s32 $0x88, s3;
	s6 =	simm.s32 @!p1 $0x1082;
	[sflag:s4] =	ssyncset.s32 $0xFFFFF086  }
0x25: {  	[simem:s6], [sflag:s4] =	dma.local [hbm:s3], $0xF7A  }
0x26: {  	[smem:$0x3F99] =	sst s1;
	(tag) =	ssettag s2;
	_ =	strace s9  }
0x27: {  	s1 =	sld [smem:$0x3FA9]  }
0x28: {  	s2 =	sld [smem:$0x3FAA]  }
0x29: {  	s4 =	sld [smem:$0x3FAC]  }
0x2a: {  	p0 =	seq.s32 s5, $0x0;
	s5 =	sld [smem:$0x3FAD]  }
0x2b: {  	s6 =	sld [smem:$0x3FAE]  }
0x2c: {  	s7 =	sld [smem:$0x3FAF]  }
0x2d: {  	s3 =	simm.s32 $0x108;
	s8 =	sld [smem:$0x3FB0]  }
0x2e: {  	s3 =	simm.s32 @!p0 $0x1082;
	s9 =	sld [smem:$0x3FB1]  }
0x2f: {  	lr =	sadd.s32 s0, s3;
	s0 =	sld [smem:$0x3FA8]  }
0x30: {  	s3 =	sld [smem:$0x3FAB]  }
0x31: {  	[smem:$0x3FB4] =	sst s10  }
0x32: {  	s10 =	sld [smem:$0x3FB2];
	_ =	sdelay $0x3  }
0x33: {  	p0 =	seq.s32 s10, $0x1;
	s10 =	sld [smem:$0x3FB4];
	_ =	sdelay $0x3  }
0x34: {  	[smem:$0x3FB4] =	sst s10  }
0x35: {  	s10 =	sld [smem:$0x3FB3];
	_ =	sdelay $0x3  }
0x36: {  	p1 =	seq.s32 s10, $0x1;
	s10 =	sld [smem:$0x3FB4];
	_ =	sdelay $0x3  }
0x37: {  	[smem:$0x3FB4] =	sst s10  }
0x38: {  	s10 =	sld [smem:$0x3FB5]  }
0x39: {  	_ = 	snop;
	(pc) =	sbr.ind lr, $3  }
0x3a: {  	_ = 	snop  }
0x3b: {  	_ = 	snop  }
0x3c: {  	p2 =	seq.s32 s10, $0x1;
	s10 =	sld [smem:$0x3FB4]  }
0x3d: {  	_ =	shalt  }
0x3e: {  	_ =	shalt  }
0x3f: {  	_ =	shalt  }
0x40: {  	_ =	shalt  }
0x41: {  	_ =	shalt  }
0x42: {  	_ =	shalt  }
0x43: {  	_ =	shalt  }
0x44: {  	_ =	shalt  }
0x45: {  	_ =	shalt  }
0x46: {  	_ =	shalt  }
0x47: {  	_ =	shalt  }
0x48: {  	_ =	shalt  }
0x49: {  	_ =	shalt  }
0x4a: {  	_ =	shalt  }
0x4b: {  	_ =	shalt  }
0x4c: {  	_ =	shalt  }
0x4d: {  	_ =	shalt  }
0x4e: {  	_ =	shalt  }
0x4f: {  	_ =	shalt  }
0x50: {  	_ =	shalt  }
0x51: {  	_ =	shalt  }
0x52: {  	_ =	shalt  }
0x53: {  	_ =	shalt  }
0x54: {  	_ =	shalt  }
0x55: {  	_ =	shalt  }
0x56: {  	_ =	shalt  }
0x57: {  	_ =	shalt  }
0x58: {  	_ =	shalt  }
0x59: {  	_ =	shalt  }
0x5a: {  	_ =	shalt  }
0x5b: {  	_ =	shalt  }
0x5c: {  	_ =	shalt  }
0x5d: {  	_ =	shalt  }
0x5e: {  	_ =	shalt  }
0x5f: {  	_ =	shalt  }
0x60: {  	_ =	shalt  }
0x61: {  	_ =	shalt  }
0x62: {  	_ =	shalt  }
0x63: {  	_ =	shalt  }
0x64: {  	_ =	shalt  }
0x65: {  	_ =	shalt  }
0x66: {  	_ =	shalt  }
0x67: {  	_ =	shalt  }
0x68: {  	_ =	shalt  }
0x69: {  	_ =	shalt  }
0x6a: {  	_ =	shalt  }
0x6b: {  	_ =	shalt  }
0x6c: {  	_ =	shalt  }
0x6d: {  	_ =	shalt  }
0x6e: {  	_ =	shalt  }
0x6f: {  	_ =	shalt  }
0x70: {  	_ =	shalt  }
0x71: {  	_ =	shalt  }
0x72: {  	_ =	shalt  }
0x73: {  	_ =	shalt  }
0x74: {  	_ =	shalt  }
0x75: {  	_ =	shalt  }
0x76: {  	_ =	shalt  }
0x77: {  	_ =	shalt  }
0x78: {  	_ =	shalt  }
0x79: {  	_ =	shalt  }
0x7a: {  	_ =	shalt  }
0x7b: {  	_ =	shalt  }
0x7c: {  	_ =	shalt  }
0x7d: {  	_ =	shalt  }
0x7e: {  	_ =	shalt  }
0x7f: {  	_ =	shalt  }
0x80: {  	_ =	shalt  }
0x81: {  	_ =	shalt  }
0x82: {  	_ =	shalt  }
0x83: {  	_ =	shalt  }
0x84: {  	_ =	shalt  }
0x85: {  	_ =	shalt  }
0x86: {  	_ =	shalt  }
0x87: {  	_ =	shalt  }
.Lfunc_end0:
.L_simem_size_0:
called_computation.1_lowered:
.L_overlay_start_0:
0x88: {  	s2 =	sld [smem:$0x3FD9]  }
0x89: {  	s3 =	sld [smem:$0x3FFE];
	_ =	sdelay $0x1  }
0x8a: {  	s1 =	srdreg.scid  }
0x8b: {  	s0 =	sand.u32 $0x1, s1  }
0x8c: {  	s17 =	sshll.u32 s0, $0xA;
	s2 =	sadd.s32 s3, s2  }
0x8d: {  	s2 =	sadd.s32 s2, s17  }
0x8e: {  	[smem:$0x3FC0] =	sst s2  }
0x8f: {  	_ = 	snop  }
0x90: {  	s18 =	sld [smem:$0x3FD0];
	(tm) =	ssettm $0x1  }
0x91: {  	s19 =	sld [smem:$0x3FFB];
	_ =	sdelay $0x3  }
0x92: {  	_ =	strace s19  }
0x93: {  	s2 =	sld [smem:$0x3FFC];
	_ =	sdelay $0x3  }
0x94: {  	_ =	strace s2  }
0x95: {  	s2 =	sld [smem:$0x3FFD];
	_ =	sdelay $0x3  }
0x96: {  	_ =	strace s2  }
0x97: {  	_ =	strace $0x8FFFFFFF  }
0x98: {  	s20 =	sld [smem:$0x3FDB];
	_ =	sdelay $0x1  }
0x99: {  	s4 =	simm.s32 $_scs_section_size  }
0x9a: {  	s5 =	simm.s32 $_size__tile_overlayer_lowered;
	s6 =	simm.s32 $_tile_overlayer_lowered  }
0x9b: {  	s7 =	simm.s32 $0x1BFF;
	s21 =	sshll.u32 s6, $0x1;
	s4 =	sadd.s32 s4, s20  }
0x9c: {  	s22 =	simm.s32 $0x0;
	s5 =	sshll.u32 s5, $0x1;
	s6 =	sadd.s32 s21, s4  }
0x9d: {  	[timem:s22], [sflag:s7] =	dma.local [hbm:s6], s5  }
0x9e: {  	_ =	swait.ge [sflag:s7], s5  }
0x9f: {  	s5 =	ssub.s32 $0x0, s5;
	[sflag:s7] =	ssyncset.done $0x0  }
0xa0: {  	[sflag:s7] =	ssyncadd.s32 s5;
	_ =	sdelay $0x1  }
0xa1: {  	s23 =	simm.s32 $0x1B8B  }
0xa2: {  	_ =	swait.ge [sflag:s23], $0x1  }
0xa3: {  	[sflag:s23] =	ssyncset.done $0x0  }
0xa4: {  	[sflag:s23] =	ssyncadd.s32 $0xFFFFFFFF  }
0xa5: {  	s5 =	sld [smem:$0x0]  }
0xa6: {  	s6 =	sand.u32 $0xFFFFFFFE, s1  }
0xa7: {  	p0 =	sne.s32 s1, s6  }
0xa8: {  	s6 =	sshll.u32 @p0 s6, $0xE  }
0xa9: {  	s6 =	sadd.s32 @p0 $0x11B8D, s6;
	s7 =	sshll.u32 @p0 s5, $0x11  }
0xaa: {  	s6 =	sor.u32 @p0 s7, s6  }
0xab: {  	[sflag:s6] =	ssyncadd.remote.s32 @p0 $0x1;
	_ =	sdelay $0x1  }
0xac: {  	s6 =	simm.s32 @p0 $0x1B8D  }
0xad: {  	_ =	swait.eq @p0 [sflag:s6], $0x1  }
0xae: {  	[sflag:s6] =	ssyncadd.s32 @p0 $0xFFFFFFFF  }
0xaf: {  	s7 =	sshll.u32 @!p0 s1, $0xE  }
0xb0: {  	s7 =	sor.u32 @!p0 $0x4000, s7;
	s6 =	simm.s32 @!p0 $0x1B8D  }
0xb1: {  	s5 =	sshll.u32 @!p0 s5, $0x11;
	s7 =	sadd.s32 @!p0 $0x11B8D, s7;
	_ =	swait.eq @!p0 [sflag:s6], $0x1  }
0xb2: {  	s5 =	sor.u32 @!p0 s5, s7;
	[sflag:s6] =	ssyncadd.s32 @!p0 $0xFFFFFFFF  }
0xb3: {  	s25 =	simm.s32 $0x1B8E;
	s24 =	sld [smem:$0x3FFE];
	[sflag:s5] =	ssyncadd.remote.s32 @!p0 $0x1  }
0xb4: {  	s26 =	simm.s32 $execute0_lowered;
	[smem:$0x3FD2] =	sst s25  }
0xb5: {  	s6 =	sshll.u32 s26, $0x1;
	_ =	strace $0x80000049;
	[dreg:$0x1] =	wrdreg $0xFFFFFFFF  }
0xb6: {  	s28 =	simm.s32 $_size_execute0_lowered;
	s4 =	sadd.s32 s4, s6;
	[dreg:$0x0] =	wrdreg $0x0  }
0xb7: {  	s6 =	sshll.u32 s28, $0x1;
	[dreg:$0x2] =	wrdreg s4  }
0xb8: {  	[dreg:$0x3] =	wrdreg s6  }
0xb9: {  	[dreg:$0x4] =	wrdreg $0xC0  }
0xba: {  	_ =	task [dreg:s22], $0x5FFFF  }
0xbb: {  	[dreg:$0x1] =	wrdreg $0xFFFFFFFF  }
0xbc: {  	[dreg:$0x0] =	wrdreg $0x60  }
0xbd: {  	[dreg:$0x2] =	wrdreg s24  }
0xbe: {  	[dreg:$0x3] =	wrdreg s18  }
0xbf: {  	[dreg:$0x4] =	wrdreg $0x90000  }
0xc0: {  	[dreg:$0x5] =	wrdreg $0xA  }
0xc1: {  	_ =	task.clear_ibuf [dreg:s22], $0x6FFFF;
	_ =	strace $0x90000049  }
0xc2: {  	s29 =	simm.s32 $0xA;
	_ =	strace $0x8000004B  }
0xc3: {  	_ =	swait.ge [sflag:s29], $0x1  }
0xc4: {  	[sflag:s29] =	ssyncadd.s32 $0xFFFFFFFF  }
0xc5: {  	_ =	strace $0x9000004B  }
0xc6: {  	_ =	sfence  }
0xc7: {  	s30 =	sld [smem:$0x0];
	_ =	sdelay $0x2  }
0xc8: {  	s31 =	sshll.u32 s1, $0xD;
	s1 =	sshrl.u32 s1, $0x2  }
0xc9: {  	s4 =	sand.u32 $0x4000, s31;
	s1 =	sadd.s32 s1, s30  }
0xca: {  	s0 =	sor.u32 s4, s0;
	s1 =	sshll.u32 s1, $0x11  }
0xcb: {  	s0 =	sor.u32 s1, s0  }
0xcc: {  	s0 =	sadd.s32 $0x8F2B, s0  }
0xcd: {  	[sflag:s0] =	ssyncadd.remote.s32 $0x1  }
0xce: {  	_ =	sfence.sel $0xFFFF  }
0xcf: {  	[dreg:$0x0] =	wrdreg $0xFFFFFFFF;
	(pc) =	sbr.abs _section_cstart, $3  }
0xd0: {  	[dreg:$0x1] =	wrdreg $0xFFFFFFFF  }
0xd1: {  	_ =	task.clear_ibuf [dreg:s22], $0x2FFFF;
	_ =	strace $0x9FFFFFFF  }
0xd2: {  	(tm) =	ssettm $0x7FFFFFFF  }
0xd3: {  	_ =	shalt  }
tec
execute0_lowered:
.L_overlay_start_1:
0x0: {  	(tag) =	ssettag $0x1  }
0x1: {  	s5 =	rddreg [dreg:$0x0]  }
0x2: {  	s6 =	rddreg [dreg:$0x1];
	s0 =	stileid.u32  }
0x3: {  	s1 =	srdreg.scid;
	s2 =	rddreg [dreg:$0x2];
	s3 =	simm.s32 $0x0  }
0x4: {  	s13 =	simm.s32 $0x5000;
	s14 =	simm.s32 $0x2;
	s17 =	simm.s32 $0x80  }
0x5: {  	s18 =	simm.s32 $0x1;
	s21 =	simm.s32 $0x0;
	s15 =	smul.u32 $0x500, s0  }
0x6: {  	s7 =	sand.u32 $0x1, s1;
	s1 =	rddreg [dreg:$0x3];
	s9 =	smul.u32 $0x2800, s0  }
0x7: {  	[smem:$0x7FF] =	sst s3;
	s4 =	sadd.s32 $0xA8600, s5;
	s10 =	smul.u32 $0x50000, s0  }
0x8: {  	s19 =	sshll.u32 s0, $0x6;
	s8 =	smul.u32 $0x28000, s7;
	_ =	strace $0x8000004A  }
0x9: {  	s31 =	ssub.s32 $0x2, s7;
	s7 =	smul.u32 $0x5000, s7;
	s19 =	sor.u32 $0x1C02, s19  }
0xa: {  	s11 =	sadd.s32 s15, s5;
	s12 =	sshrl.u32 s31, $0x1;
	s10 =	sshrl.u32 s10, $0x2  }
0xb: {  	s8 =	sadd.s32 s9, s8;
	s9 =	ssub.s32 s31, s12;
	s16 =	sadd.s32 s6, s7  }
0xc: {  	s6 =	sadd.s32 $0x3600, s11;
	s8 =	sadd.s32 s8, s5;
	s5 =	sadd.s32 s10, s2  }
0xd: {  	s15 =	sadd.s32 s15, s16;
	s16 =	simm.s32 $0x2800;
	s7 =	sadd.s32 $0xF8600, s8  }
0xe: {  	s8 =	smax.u32 s9, $0x1;
	s9 =	sadd.s32 $0x4000, s5;
	s10 =	sadd.s32 $0x8000, s5  }
0xf: {  	v0 =	vimm.f32 $0.0e+00;
	s11 =	sadd.s32 $0xC000, s5;
	s12 =	sadd.s32 $0x10000, s5;
	s20 =	sshrl.u32 s5, $0x3  }
.LBB2_1:
0x10: {  	s22 =	sand.u32 $0xFE00, s3  }
0x11: {  	s23 =	sand.u32 $0x70, s3;
	s24 =	sshrl.u32 s22, $0x2  }
0x12: {  	s22 =	simm.s32 $0x40;
	s24 =	sor.u32 s23, s24;
	s23 =	simm.s32 $0x0  }
.LBB2_2:
0x13: {  	p0 =	sne.s32 s22, $0xFFC0  }
0x14: {  	[tilespmem:s24+$0x5000] =	vst v0;
	s23 =	sadd.s32 $0x10, s23;
	s24 =	smov.u32 s22;
	s22 =	sadd.s32 $0x40, s22  }
.Ltmp0:
0x15: {  	(pc) =	sbr.rel @p0 .LBB2_2-.Ltmp0, $4  }
0x16: {  	_ = 	snop  }
0x17: {  	s24 =	sand.u32 $0xFE00, s24  }
0x18: {  	s25 =	sand.u32 $0x70, s23;
	s24 =	sshrl.u32 s24, $0x2  }
0x19: {  	s24 =	sor.u32 s25, s24  }
0x1a: {  	[tilespmem:s24+$0x5000] =	vst v0  }
0x1b: {  	[spmem:s5] =	stream.linear.scatter [tilespmem:s13], [sflag:$0x2], $0x4000, $0x38;
	[tilespmem:$0x1D000] =	vst v63  }
0x1c: {  	_ =	swait.ge [sflag:s14], $0x4000  }
0x1d: {  	[sflag:s14] =	ssyncset.done $0x0  }
0x1e: {  	[sflag:s14] =	ssyncadd.s32 $0xFFFFC000  }
0x1f: {  	[spmem:s9] =	stream.linear.scatter [tilespmem:s13], [sflag:$0x2], $0x4000, $0x38;
	[tilespmem:$0x1D000] =	vst v63  }
0x20: {  	_ =	swait.ge [sflag:s14], $0x4000  }
0x21: {  	[sflag:s14] =	ssyncset.done $0x0  }
0x22: {  	[sflag:s14] =	ssyncadd.s32 $0xFFFFC000  }
0x23: {  	[spmem:s10] =	stream.linear.scatter [tilespmem:s13], [sflag:$0x2], $0x4000, $0x38;
	[tilespmem:$0x1D000] =	vst v63  }
0x24: {  	_ =	swait.ge [sflag:s14], $0x4000  }
0x25: {  	[sflag:s14] =	ssyncset.done $0x0  }
0x26: {  	[sflag:s14] =	ssyncadd.s32 $0xFFFFC000  }
0x27: {  	[spmem:s11] =	stream.linear.scatter [tilespmem:s13], [sflag:$0x2], $0x4000, $0x38;
	[tilespmem:$0x1D000] =	vst v63  }
0x28: {  	_ =	swait.ge [sflag:s14], $0x4000  }
0x29: {  	[sflag:s14] =	ssyncset.done $0x0  }
0x2a: {  	[sflag:s14] =	ssyncadd.s32 $0xFFFFC000  }
0x2b: {  	[spmem:s12] =	stream.linear.scatter [tilespmem:s13], [sflag:$0x2], $0x4000, $0x38;
	[tilespmem:$0x1D000] =	vst v63  }
0x2c: {  	_ =	swait.ge [sflag:s14], $0x4000  }
0x2d: {  	[sflag:s14] =	ssyncset.done $0x0  }
0x2e: {  	s22 =	simm.s32 $0x0;
	[sflag:s14] =	ssyncadd.s32 $0xFFFFC000  }
0x2f: {  	[tilespmem:s22], [sflag:$0x2] =	stream.linear.gather [hbm4b:s15+s22], $0x2800, $0x38;
	[tilespmem:$0x1D000] =	vst v63  }
0x30: {  	_ =	swait.ge [sflag:s14], $0x2800  }
0x31: {  	[sflag:s14] =	ssyncset.done $0x0  }
0x32: {  	[sflag:s14] =	ssyncadd.s32 $0xFFFFD800  }
0x33: {  	[tilespmem:s16], [sflag:$0x2] =	stream.linear.gather [hbm4b:s6+s22], $0x2800, $0x38;
	[tilespmem:$0x1D000] =	vst v63  }
0x34: {  	_ =	swait.ge [sflag:s14], $0x2800  }
0x35: {  	[sflag:s14] =	ssyncset.done $0x0  }
0x36: {  	[sflag:s14] =	ssyncadd.s32 $0xFFFFD800  }
0x37: {  	s30 =	simm.s32 $0x0;
	[bflag:$0x0] =	sbarrier.arrive $0xFFFF  }
0x38: {  	[tilespmem:s13], [sflag:$0x1] =	stream.indirect.gather [hbm4b:s4+s17], $0x80, s30, s17, $0xb8;
	[tilespmem:$0x1D000] =	vst v63  }
0x39: {  	_ =	swait.ge [sflag:s18], $0x4000  }
0x3a: {  	[sflag:s18] =	ssyncset.done $0x0  }
0x3b: {  	s31 =	simm.s32 $0x2800;
	[sflag:s18] =	ssyncadd.s32 $0xFFFFC000  }
0x3c: {  	[spmem:s2] =	stream.indirect.scatter.add.f32 [tilespmem:s13], [sflag:$0x2], $0x80, s31, s17, $0xb8;
	[tilespmem:$0x1D000] =	vst v63  }
0x3d: {  	_ =	swait.ge [sflag:s14], $0x4000  }
0x3e: {  	s23 =	simm.s32 $0x400;
	s22 =	simm.s32 $0x200;
	[sflag:s14] =	ssyncset.done $0x0  }
.LBB2_4:
0x3f: {  	s24 =	sshra.s32 s22, $0x2  }
0x40: {  	[sflag:s14] =	ssyncadd.s32 $0xFFFFC000;
	s22 =	smov.u32 s23;
	s25 =	sadd.s32 $0x200, s23  }
0x41: {  	[tilespmem:s13], [sflag:$0x1] =	stream.indirect.gather [hbm4b:s4+s17], $0x80, s24, s17, $0xb8;
	[tilespmem:$0x1D000] =	vst v63  }
0x42: {  	p0 =	sne.s32 s23, $0x9E00;
	_ =	swait.ge [sflag:s18], $0x4000  }
.Ltmp1:
0x43: {  	[sflag:s18] =	ssyncset.done $0x0;
	(pc) =	sbr.rel @p0 .LBB2_4-.Ltmp1, $4  }
0x44: {  	s23 =	sadd.s32 $0x2800, s24;
	[sflag:s18] =	ssyncadd.s32 $0xFFFFC000  }
0x45: {  	[spmem:s2] =	stream.indirect.scatter.add.f32 [tilespmem:s13], [sflag:$0x2], $0x80, s23, s17, $0xb8;
	[tilespmem:$0x1D000] =	vst v63  }
0x46: {  	_ =	swait.ge [sflag:s14], $0x4000  }
0x47: {  	s23 =	smov.u32 s25;
	[sflag:s14] =	ssyncset.done $0x0  }
0x48: {  	s22 =	sshra.s32 s22, $0x2;
	[sflag:s14] =	ssyncadd.s32 $0xFFFFC000  }
0x49: {  	[tilespmem:s13], [sflag:$0x1] =	stream.indirect.gather [hbm4b:s4+s17], $0x80, s22, s17, $0xb8;
	[tilespmem:$0x1D000] =	vst v63  }
0x4a: {  	_ =	swait.ge [sflag:s18], $0x4000  }
0x4b: {  	[sflag:s18] =	ssyncset.done $0x0  }
0x4c: {  	s22 =	sadd.s32 $0x2800, s22;
	[sflag:s18] =	ssyncadd.s32 $0xFFFFC000  }
0x4d: {  	[spmem:s2] =	stream.indirect.scatter.add.f32 [tilespmem:s13], [sflag:$0x2], $0x80, s22, s17, $0xb8;
	[tilespmem:$0x1D000] =	vst v63  }
0x4e: {  	_ =	swait.ge [sflag:s14], $0x4000  }
0x4f: {  	s21 =	sadd.s32 $0x1, s21;
	[sflag:s14] =	ssyncset.done $0x0  }
0x50: {  	p0 =	sne.s32 s21, s8;
	[sflag:s14] =	ssyncadd.s32 $0xFFFFC000  }
.Ltmp2:
0x51: {  	[bflag:$0x0] =	sbarrier.arrive $0xFFFF;
	(pc) =	sbr.rel @p0 .LBB2_1-.Ltmp2, $4  }
0x52: {  	[hbm:s7], [sflag:s19] =	dma.local [spmem:s20], $0x2800  }
0x53: {  	_ =	swait.ge [sflag:s14], $0x2800  }
0x54: {  	[sflag:s14] =	ssyncset.done $0x0  }
0x55: {  	[sflag:s14] =	ssyncadd.s32 $0xFFFFD800  }
0x56: {  	_ =	sfence.sel $0x180000  }
0x57: {  	[bflag:$0x0] =	sbarrier.arrive $0xFFFF  }
0x58: {  	p0 =	sne.s32 s0, $0x0;
	_ =	strace $0x9000004A  }
0x59: {  	s0 =	sadd.s32 @!p0 $0x100000, s1;
	[bflag:$0x2] =	sbarrier.arrive $0xFFFF  }
0x5a: {  	[sflag:s0] =	ssyncadd.tile.s32 @!p0 $0x1;
	_ =	shalt  }
.Lfunc_end2:
_tile_overlayer_lowered:
.L_overlay_start_2:
0x5b: {  	(tag) =	ssettag $0x2  }
0x5c: {  	s0 =	rddreg [dreg:$0x0];
	s2 =	stileid.u32  }
0x5d: {  	s1 =	rddreg [dreg:$0x1];
	p0 =	sne.s32 s2, $0x0  }
0x5e: {  	s3 =	rddreg [dreg:$0x2];
	[bflag:$0x3] =	sbarrier.arrive $0xFFFF;
	s2 =	simm.s32 @!p0 $0x1C02  }
0x5f: {  	[timem:s3], [sflag:s2] =	dma.local @!p0 [hbm:s0], s1  }
0x60: {  	s0 =	simm.s32 @!p0 $0x2  }
0x61: {  	_ =	swait.ge @!p0 [sflag:s0], s1  }
0x62: {  	s1 =	ssub.s32 @!p0 $0x0, s1;
	[sflag:s0] =	ssyncset.done @!p0 $0x0  }
0x63: {  	[sflag:s0] =	ssyncadd.s32 @!p0 s1  }
0x64: {  	[bflag:$0x3] =	sbarrier.arrive $0xFFFF  }
0x65: {  	_ =	shalt  }

// kernel: kernel.14.cloned.1.call-start
scs
__scs_entry_jumppad:
0x0: {  	(pc) =	sbr.rel $0x88, $3  }
0x1: {  	(tag) =	ssettag $0x0;
	lr =	simm.s32 $0x1  }
0x2: {  	[smem:$0x3F99] =	sst lr;
	_ =	strace $0xD0000000  }
0x3: {  	_ = 	snop  }
0x4: {  	_ = 	snop  }
0x5: {  	_ = 	snop  }
0x6: {  	_ = 	snop  }
0x7: {  	_ = 	snop  }
__scs_overlays_trampoline_lowered:
0x8: {  	[smem:$0x3FA8] =	sst s0  }
0x9: {  	[smem:$0x3FA9] =	sst s1  }
0xa: {  	[smem:$0x3FAA] =	sst s2  }
0xb: {  	[smem:$0x3FAB] =	sst s3  }
0xc: {  	[smem:$0x3FAC] =	sst s4  }
0xd: {  	[smem:$0x3FAD] =	sst s5  }
0xe: {  	[smem:$0x3FAE] =	sst s6  }
0xf: {  	[smem:$0x3FAF] =	sst s7  }
0x10: {  	[smem:$0x3FB0] =	sst s8  }
0x11: {  	[smem:$0x3FB1] =	sst s9;
	s0 =	simm.s32 @!p0 $0x0  }
0x12: {  	s1 =	sld [smem:$0x3F97];
	s0 =	simm.s32 @p0 $0x1  }
0x13: {  	[smem:$0x3FB2] =	sst s0;
	s0 =	simm.s32 @!p1 $0x0  }
0x14: {  	s2 =	sld [smem:$0x3F96];
	s0 =	simm.s32 @p1 $0x1  }
0x15: {  	[smem:$0x3FB3] =	sst s0;
	s0 =	simm.s32 @!p2 $0x0  }
0x16: {  	s3 =	sld [smem:$0x3FDB];
	s0 =	simm.s32 @p2 $0x1  }
0x17: {  	s4 =	simm.s32 $0x1BF5;
	[smem:$0x3FB5] =	sst s0  }
0x18: {  	s0 =	sld [smem:$0x3F98];
	_ =	swait.ge [sflag:s4], $0x0  }
0x19: {  	s7 =	sld [smem:$0x3F99]  }
0x1a: {  	s8 =	sadd.s32 $0xFFFFE003, lr  }
0x1b: {  	s9 =	sadd.s32 $0xFFFFFEF7, lr;
	s5 =	simm.s32 $0xFFFFFFFF;
	p2 =	slt.u32 s8, $0xFFFFF086  }
0x1c: {  	p1 =	slt.u32 s9, $0xF7A;
	s5 =	simm.s32 @!p2 $0x0  }
0x1d: {  	s5 =	simm.s32 @p1 $0x1;
	p0 =	seq.s32 s7, s2  }
0x1e: {  	s7 =	smul.u32 @!p0 $0xF7A, s2;
	p2 =	seq.s32 @!p0 s5, $0x0  }
0x1f: {  	s9 =	smul.u32 $0xF7A, s1;
	s8 =	simm.s32 @!p0 $0x1BF5;
	p2 =	por !p2, p0  }
0x20: {  	[sflag:s8] =	ssyncset.s32 @!p0 $0xFFFFF086;
	s6 =	sadd.s32 @!p0 s3, s7;
	s7 =	simm.s32 @!p0 $0x108  }
0x21: {  	s3 =	sadd.s32 s3, s9;
	s6 =	sadd.s32 @!p0 $0x88, s6;
	s7 =	simm.s32 @p2 $0x1082  }
0x22: {  	[simem:s7], [sflag:s8] =	dma.local @!p0 [hbm:s6], $0xF7A  }
0x23: {  	s9 =	sor.u32 $0xD0000000, s2;
	s6 =	simm.s32 $0x108;
	_ =	swait.ge @!p0 [sflag:s8], $0x0  }
0x24: {  	s3 =	sadd.s32 $0x88, s3;
	s6 =	simm.s32 @!p1 $0x1082;
	[sflag:s4] =	ssyncset.s32 $0xFFFFF086  }
0x25: {  	[simem:s6], [sflag:s4] =	dma.local [hbm:s3], $0xF7A  }
0x26: {  	[smem:$0x3F99] =	sst s1;
	(tag) =	ssettag s2;
	_ =	strace s9  }
0x27: {  	s1 =	sld [smem:$0x3FA9]  }
0x28: {  	s2 =	sld [smem:$0x3FAA]  }
0x29: {  	s4 =	sld [smem:$0x3FAC]  }
0x2a: {  	p0 =	seq.s32 s5, $0x0;
	s5 =	sld [smem:$0x3FAD]  }
0x2b: {  	s6 =	sld [smem:$0x3FAE]  }
0x2c: {  	s7 =	sld [smem:$0x3FAF]  }
0x2d: {  	s3 =	simm.s32 $0x108;
	s8 =	sld [smem:$0x3FB0]  }
0x2e: {  	s3 =	simm.s32 @!p0 $0x1082;
	s9 =	sld [smem:$0x3FB1]  }
0x2f: {  	lr =	sadd.s32 s0, s3;
	s0 =	sld [smem:$0x3FA8]  }
0x30: {  	s3 =	sld [smem:$0x3FAB]  }
0x31: {  	[smem:$0x3FB4] =	sst s10  }
0x32: {  	s10 =	sld [smem:$0x3FB2];
	_ =	sdelay $0x3  }
0x33: {  	p0 =	seq.s32 s10, $0x1;
	s10 =	sld [smem:$0x3FB4];
	_ =	sdelay $0x3  }
0x34: {  	[smem:$0x3FB4] =	sst s10  }
0x35: {  	s10 =	sld [smem:$0x3FB3];
	_ =	sdelay $0x3  }
0x36: {  	p1 =	seq.s32 s10, $0x1;
	s10 =	sld [smem:$0x3FB4];
	_ =	sdelay $0x3  }
0x37: {  	[smem:$0x3FB4] =	sst s10  }
0x38: {  	s10 =	sld [smem:$0x3FB5]  }
0x39: {  	_ = 	snop;
	(pc) =	sbr.ind lr, $3  }
0x3a: {  	_ = 	snop  }
0x3b: {  	_ = 	snop  }
0x3c: {  	p2 =	seq.s32 s10, $0x1;
	s10 =	sld [smem:$0x3FB4]  }
0x3d: {  	_ =	shalt  }
0x3e: {  	_ =	shalt  }
0x3f: {  	_ =	shalt  }
0x40: {  	_ =	shalt  }
0x41: {  	_ =	shalt  }
0x42: {  	_ =	shalt  }
0x43: {  	_ =	shalt  }
0x44: {  	_ =	shalt  }
0x45: {  	_ =	shalt  }
0x46: {  	_ =	shalt  }
0x47: {  	_ =	shalt  }
0x48: {  	_ =	shalt  }
0x49: {  	_ =	shalt  }
0x4a: {  	_ =	shalt  }
0x4b: {  	_ =	shalt  }
0x4c: {  	_ =	shalt  }
0x4d: {  	_ =	shalt  }
0x4e: {  	_ =	shalt  }
0x4f: {  	_ =	shalt  }
0x50: {  	_ =	shalt  }
0x51: {  	_ =	shalt  }
0x52: {  	_ =	shalt  }
0x53: {  	_ =	shalt  }
0x54: {  	_ =	shalt  }
0x55: {  	_ =	shalt  }
0x56: {  	_ =	shalt  }
0x57: {  	_ =	shalt  }
0x58: {  	_ =	shalt  }
0x59: {  	_ =	shalt  }
0x5a: {  	_ =	shalt  }
0x5b: {  	_ =	shalt  }
0x5c: {  	_ =	shalt  }
0x5d: {  	_ =	shalt  }
0x5e: {  	_ =	shalt  }
0x5f: {  	_ =	shalt  }
0x60: {  	_ =	shalt  }
0x61: {  	_ =	shalt  }
0x62: {  	_ =	shalt  }
0x63: {  	_ =	shalt  }
0x64: {  	_ =	shalt  }
0x65: {  	_ =	shalt  }
0x66: {  	_ =	shalt  }
0x67: {  	_ =	shalt  }
0x68: {  	_ =	shalt  }
0x69: {  	_ =	shalt  }
0x6a: {  	_ =	shalt  }
0x6b: {  	_ =	shalt  }
0x6c: {  	_ =	shalt  }
0x6d: {  	_ =	shalt  }
0x6e: {  	_ =	shalt  }
0x6f: {  	_ =	shalt  }
0x70: {  	_ =	shalt  }
0x71: {  	_ =	shalt  }
0x72: {  	_ =	shalt  }
0x73: {  	_ =	shalt  }
0x74: {  	_ =	shalt  }
0x75: {  	_ =	shalt  }
0x76: {  	_ =	shalt  }
0x77: {  	_ =	shalt  }
0x78: {  	_ =	shalt  }
0x79: {  	_ =	shalt  }
0x7a: {  	_ =	shalt  }
0x7b: {  	_ =	shalt  }
0x7c: {  	_ =	shalt  }
0x7d: {  	_ =	shalt  }
0x7e: {  	_ =	shalt  }
0x7f: {  	_ =	shalt  }
0x80: {  	_ =	shalt  }
0x81: {  	_ =	shalt  }
0x82: {  	_ =	shalt  }
0x83: {  	_ =	shalt  }
0x84: {  	_ =	shalt  }
0x85: {  	_ =	shalt  }
0x86: {  	_ =	shalt  }
0x87: {  	_ =	shalt  }
.Lfunc_end0:
.L_simem_size_0:
called_computation.2_lowered:
.L_overlay_start_0:
0x88: {  	s2 =	sld [smem:$0x3FD9]  }
0x89: {  	s3 =	sld [smem:$0x3FFE];
	_ =	sdelay $0x1  }
0x8a: {  	s1 =	srdreg.scid  }
0x8b: {  	s0 =	sand.u32 $0x1, s1  }
0x8c: {  	s17 =	sshll.u32 s0, $0xA;
	s2 =	sadd.s32 s3, s2  }
0x8d: {  	s2 =	sadd.s32 s2, s17  }
0x8e: {  	[smem:$0x3FC0] =	sst s2  }
0x8f: {  	_ = 	snop  }
0x90: {  	s2 =	sld [smem:$0x3FD0];
	(tm) =	ssettm $0x1  }
0x91: {  	s18 =	sld [smem:$0x3FFB];
	_ =	sdelay $0x3  }
0x92: {  	_ =	strace s18  }
0x93: {  	s3 =	sld [smem:$0x3FFC];
	_ =	sdelay $0x3  }
0x94: {  	_ =	strace s3  }
0x95: {  	s3 =	sld [smem:$0x3FFD];
	_ =	sdelay $0x3  }
0x96: {  	_ =	strace s3  }
0x97: {  	_ =	strace $0x8FFFFFFF  }
0x98: {  	s19 =	sld [smem:$0x3FDB];
	_ =	sdelay $0x1  }
0x99: {  	s4 =	simm.s32 $_scs_section_size  }
0x9a: {  	s5 =	simm.s32 $_size__tile_overlayer_lowered;
	s6 =	simm.s32 $_tile_overlayer_lowered  }
0x9b: {  	s22 =	simm.s32 $0x1BFF;
	s21 =	sshll.u32 s6, $0x1;
	s3 =	sadd.s32 s4, s19  }
0x9c: {  	s7 =	simm.s32 $0x0;
	s20 =	sshll.u32 s5, $0x1;
	s5 =	sadd.s32 s21, s3  }
0x9d: {  	[timem:s7], [sflag:s22] =	dma.local [hbm:s5], s20  }
0x9e: {  	_ =	swait.ge [sflag:s22], s20  }
0x9f: {  	s4 =	ssub.s32 $0x0, s20;
	[sflag:s22] =	ssyncset.done $0x0  }
0xa0: {  	[sflag:s22] =	ssyncadd.s32 s4;
	_ =	sdelay $0x1  }
0xa1: {  	s23 =	simm.s32 $0x1B8B  }
0xa2: {  	_ =	swait.ge [sflag:s23], $0x1  }
0xa3: {  	[sflag:s23] =	ssyncset.done $0x0  }
0xa4: {  	s25 =	simm.s32 $0x1B8E;
	s24 =	sld [smem:$0x3FFE];
	[sflag:s23] =	ssyncadd.s32 $0xFFFFFFFF  }
0xa5: {  	s26 =	simm.s32 $execute0_lowered;
	[smem:$0x3FD2] =	sst s25  }
0xa6: {  	s5 =	sshll.u32 s26, $0x1;
	_ =	strace $0x8000004C;
	[dreg:$0x1] =	wrdreg $0xFFFFFFFF  }
0xa7: {  	s28 =	simm.s32 $_size_execute0_lowered;
	s3 =	sadd.s32 s3, s5;
	[dreg:$0x0] =	wrdreg $0x0  }
0xa8: {  	s5 =	sshll.u32 s28, $0x1;
	[dreg:$0x2] =	wrdreg s3  }
0xa9: {  	[dreg:$0x3] =	wrdreg s5  }
0xaa: {  	[dreg:$0x4] =	wrdreg $0xC0  }
0xab: {  	_ =	task [dreg:s7], $0x5FFFF  }
0xac: {  	[dreg:$0x1] =	wrdreg $0xFFFFFFFF  }
0xad: {  	[dreg:$0x0] =	wrdreg $0x60  }
0xae: {  	[dreg:$0x2] =	wrdreg s24  }
0xaf: {  	[dreg:$0x3] =	wrdreg s2  }
0xb0: {  	[dreg:$0x4] =	wrdreg $0x90000  }
0xb1: {  	[dreg:$0x5] =	wrdreg $0x9  }
0xb2: {  	_ =	task.clear_ibuf [dreg:s7], $0x6FFFF;
	_ =	strace $0x9000004C  }
0xb3: {  	s29 =	simm.s32 $0x9;
	_ =	strace $0x8000004E  }
0xb4: {  	_ =	swait.ge [sflag:s29], $0x1  }
0xb5: {  	[sflag:s29] =	ssyncadd.s32 $0xFFFFFFFF  }
0xb6: {  	_ =	strace $0x9000004E  }
0xb7: {  	_ =	sfence  }
0xb8: {  	s30 =	sld [smem:$0x0];
	_ =	sdelay $0x2  }
0xb9: {  	s31 =	sshll.u32 s1, $0xD;
	s1 =	sshrl.u32 s1, $0x2  }
0xba: {  	s3 =	sand.u32 $0x4000, s31;
	s1 =	sadd.s32 s1, s30  }
0xbb: {  	s0 =	sor.u32 s3, s0;
	s1 =	sshll.u32 s1, $0x11  }
0xbc: {  	s0 =	sor.u32 s1, s0  }
0xbd: {  	s0 =	sadd.s32 $0x8F2B, s0  }
0xbe: {  	[sflag:s0] =	ssyncadd.remote.s32 $0x1  }
0xbf: {  	_ =	sfence.sel $0xFFFF  }
0xc0: {  	[dreg:$0x0] =	wrdreg $0xFFFFFFFF;
	(pc) =	sbr.abs _section_cstart, $3  }
0xc1: {  	[dreg:$0x1] =	wrdreg $0xFFFFFFFF  }
0xc2: {  	_ =	task.clear_ibuf [dreg:s7], $0x2FFFF;
	_ =	strace $0x9FFFFFFF  }
0xc3: {  	(tm) =	ssettm $0x7FFFFFFF  }
tec
execute0_lowered:
.L_overlay_start_1:
0x0: {  	(tag) =	ssettag $0x1  }
0x1: {  	s5 =	rddreg [dreg:$0x0]  }
0x2: {  	s6 =	rddreg [dreg:$0x1];
	s0 =	stileid.u32  }
0x3: {  	s1 =	srdreg.scid;
	s2 =	rddreg [dreg:$0x2];
	s3 =	simm.s32 $0x0  }
0x4: {  	s13 =	simm.s32 $0x5000;
	s14 =	simm.s32 $0x2;
	s17 =	simm.s32 $0x80  }
0x5: {  	s18 =	simm.s32 $0x1;
	s21 =	simm.s32 $0x0;
	s15 =	smul.u32 $0x500, s0  }
0x6: {  	s7 =	sand.u32 $0x1, s1;
	s1 =	rddreg [dreg:$0x3];
	s9 =	smul.u32 $0x2800, s0  }
0x7: {  	[smem:$0x7FF] =	sst s3;
	s4 =	sadd.s32 $0x58600, s5;
	s10 =	smul.u32 $0x50000, s0  }
0x8: {  	s19 =	sshll.u32 s0, $0x6;
	s8 =	smul.u32 $0x28000, s7;
	_ =	strace $0x8000004D  }
0x9: {  	s31 =	ssub.s32 $0x2, s7;
	s7 =	smul.u32 $0x5000, s7;
	s19 =	sor.u32 $0x1C02, s19  }
0xa: {  	s11 =	sadd.s32 s15, s5;
	s12 =	sshrl.u32 s31, $0x1;
	s10 =	sshrl.u32 s10, $0x2  }
0xb: {  	s8 =	sadd.s32 s9, s8;
	s9 =	ssub.s32 s31, s12;
	s16 =	sadd.s32 s6, s7  }
0xc: {  	s6 =	sadd.s32 $0x3600, s11;
	s8 =	sadd.s32 s8, s5;
	s5 =	sadd.s32 s10, s2  }
0xd: {  	s15 =	sadd.s32 s15, s16;
	s16 =	simm.s32 $0x2800;
	s7 =	sadd.s32 $0xF8600, s8  }
0xe: {  	s8 =	smax.u32 s9, $0x1;
	s9 =	sadd.s32 $0x4000, s5;
	s10 =	sadd.s32 $0x8000, s5  }
0xf: {  	v0 =	vimm.f32 $0.0e+00;
	s11 =	sadd.s32 $0xC000, s5;
	s12 =	sadd.s32 $0x10000, s5;
	s20 =	sshrl.u32 s5, $0x3  }
.LBB2_1:
0x10: {  	s22 =	sand.u32 $0xFE00, s3  }
0x11: {  	s23 =	sand.u32 $0x70, s3;
	s24 =	sshrl.u32 s22, $0x2  }
0x12: {  	s22 =	simm.s32 $0x40;
	s24 =	sor.u32 s23, s24;
	s23 =	simm.s32 $0x0  }
.LBB2_2:
0x13: {  	p0 =	sne.s32 s22, $0xFFC0  }
0x14: {  	[tilespmem:s24+$0x5000] =	vst v0;
	s23 =	sadd.s32 $0x10, s23;
	s24 =	smov.u32 s22;
	s22 =	sadd.s32 $0x40, s22  }
.Ltmp0:
0x15: {  	(pc) =	sbr.rel @p0 .LBB2_2-.Ltmp0, $4  }
0x16: {  	_ = 	snop  }
0x17: {  	s24 =	sand.u32 $0xFE00, s24  }
0x18: {  	s25 =	sand.u32 $0x70, s23;
	s24 =	sshrl.u32 s24, $0x2  }
0x19: {  	s24 =	sor.u32 s25, s24  }
0x1a: {  	[tilespmem:s24+$0x5000] =	vst v0  }
0x1b: {  	[spmem:s5] =	stream.linear.scatter [tilespmem:s13], [sflag:$0x2], $0x4000, $0x38;
	[tilespmem:$0x1D000] =	vst v63  }
0x1c: {  	_ =	swait.ge [sflag:s14], $0x4000  }
0x1d: {  	[sflag:s14] =	ssyncset.done $0x0  }
0x1e: {  	[sflag:s14] =	ssyncadd.s32 $0xFFFFC000  }
0x1f: {  	[spmem:s9] =	stream.linear.scatter [tilespmem:s13], [sflag:$0x2], $0x4000, $0x38;
	[tilespmem:$0x1D000] =	vst v63  }
0x20: {  	_ =	swait.ge [sflag:s14], $0x4000  }
0x21: {  	[sflag:s14] =	ssyncset.done $0x0  }
0x22: {  	[sflag:s14] =	ssyncadd.s32 $0xFFFFC000  }
0x23: {  	[spmem:s10] =	stream.linear.scatter [tilespmem:s13], [sflag:$0x2], $0x4000, $0x38;
	[tilespmem:$0x1D000] =	vst v63  }
0x24: {  	_ =	swait.ge [sflag:s14], $0x4000  }
0x25: {  	[sflag:s14] =	ssyncset.done $0x0  }
0x26: {  	[sflag:s14] =	ssyncadd.s32 $0xFFFFC000  }
0x27: {  	[spmem:s11] =	stream.linear.scatter [tilespmem:s13], [sflag:$0x2], $0x4000, $0x38;
	[tilespmem:$0x1D000] =	vst v63  }
0x28: {  	_ =	swait.ge [sflag:s14], $0x4000  }
0x29: {  	[sflag:s14] =	ssyncset.done $0x0  }
0x2a: {  	[sflag:s14] =	ssyncadd.s32 $0xFFFFC000  }
0x2b: {  	[spmem:s12] =	stream.linear.scatter [tilespmem:s13], [sflag:$0x2], $0x4000, $0x38;
	[tilespmem:$0x1D000] =	vst v63  }
0x2c: {  	_ =	swait.ge [sflag:s14], $0x4000  }
0x2d: {  	[sflag:s14] =	ssyncset.done $0x0  }
0x2e: {  	s22 =	simm.s32 $0x0;
	[sflag:s14] =	ssyncadd.s32 $0xFFFFC000  }
0x2f: {  	[tilespmem:s22], [sflag:$0x2] =	stream.linear.gather [hbm4b:s15+s22], $0x2800, $0x38;
	[tilespmem:$0x1D000] =	vst v63  }
0x30: {  	_ =	swait.ge [sflag:s14], $0x2800  }
0x31: {  	[sflag:s14] =	ssyncset.done $0x0  }
0x32: {  	[sflag:s14] =	ssyncadd.s32 $0xFFFFD800  }
0x33: {  	[tilespmem:s16], [sflag:$0x2] =	stream.linear.gather [hbm4b:s6+s22], $0x2800, $0x38;
	[tilespmem:$0x1D000] =	vst v63  }
0x34: {  	_ =	swait.ge [sflag:s14], $0x2800  }
0x35: {  	[sflag:s14] =	ssyncset.done $0x0  }
0x36: {  	[sflag:s14] =	ssyncadd.s32 $0xFFFFD800  }
0x37: {  	s30 =	simm.s32 $0x0;
	[bflag:$0x0] =	sbarrier.arrive $0xFFFF  }
0x38: {  	[tilespmem:s13], [sflag:$0x1] =	stream.indirect.gather [hbm4b:s4+s17], $0x80, s30, s17, $0xb8;
	[tilespmem:$0x1D000] =	vst v63  }
0x39: {  	_ =	swait.ge [sflag:s18], $0x4000  }
0x3a: {  	[sflag:s18] =	ssyncset.done $0x0  }
0x3b: {  	s31 =	simm.s32 $0x2800;
	[sflag:s18] =	ssyncadd.s32 $0xFFFFC000  }
0x3c: {  	[spmem:s2] =	stream.indirect.scatter.add.f32 [tilespmem:s13], [sflag:$0x2], $0x80, s31, s17, $0xb8;
	[tilespmem:$0x1D000] =	vst v63  }
0x3d: {  	_ =	swait.ge [sflag:s14], $0x4000  }
0x3e: {  	s23 =	simm.s32 $0x400;
	s22 =	simm.s32 $0x200;
	[sflag:s14] =	ssyncset.done $0x0  }
.LBB2_4:
0x3f: {  	s24 =	sshra.s32 s22, $0x2  }
0x40: {  	[sflag:s14] =	ssyncadd.s32 $0xFFFFC000;
	s22 =	smov.u32 s23;
	s25 =	sadd.s32 $0x200, s23  }
0x41: {  	[tilespmem:s13], [sflag:$0x1] =	stream.indirect.gather [hbm4b:s4+s17], $0x80, s24, s17, $0xb8;
	[tilespmem:$0x1D000] =	vst v63  }
0x42: {  	p0 =	sne.s32 s23, $0x9E00;
	_ =	swait.ge [sflag:s18], $0x4000  }
.Ltmp1:
0x43: {  	[sflag:s18] =	ssyncset.done $0x0;
	(pc) =	sbr.rel @p0 .LBB2_4-.Ltmp1, $4  }
0x44: {  	s23 =	sadd.s32 $0x2800, s24;
	[sflag:s18] =	ssyncadd.s32 $0xFFFFC000  }
0x45: {  	[spmem:s2] =	stream.indirect.scatter.add.f32 [tilespmem:s13], [sflag:$0x2], $0x80, s23, s17, $0xb8;
	[tilespmem:$0x1D000] =	vst v63  }
0x46: {  	_ =	swait.ge [sflag:s14], $0x4000  }
0x47: {  	s23 =	smov.u32 s25;
	[sflag:s14] =	ssyncset.done $0x0  }
0x48: {  	s22 =	sshra.s32 s22, $0x2;
	[sflag:s14] =	ssyncadd.s32 $0xFFFFC000  }
0x49: {  	[tilespmem:s13], [sflag:$0x1] =	stream.indirect.gather [hbm4b:s4+s17], $0x80, s22, s17, $0xb8;
	[tilespmem:$0x1D000] =	vst v63  }
0x4a: {  	_ =	swait.ge [sflag:s18], $0x4000  }
0x4b: {  	[sflag:s18] =	ssyncset.done $0x0  }
0x4c: {  	s22 =	sadd.s32 $0x2800, s22;
	[sflag:s18] =	ssyncadd.s32 $0xFFFFC000  }
0x4d: {  	[spmem:s2] =	stream.indirect.scatter.add.f32 [tilespmem:s13], [sflag:$0x2], $0x80, s22, s17, $0xb8;
	[tilespmem:$0x1D000] =	vst v63  }
0x4e: {  	_ =	swait.ge [sflag:s14], $0x4000  }
0x4f: {  	s21 =	sadd.s32 $0x1, s21;
	[sflag:s14] =	ssyncset.done $0x0  }
0x50: {  	p0 =	sne.s32 s21, s8;
	[sflag:s14] =	ssyncadd.s32 $0xFFFFC000  }
.Ltmp2:
0x51: {  	[bflag:$0x0] =	sbarrier.arrive $0xFFFF;
	(pc) =	sbr.rel @p0 .LBB2_1-.Ltmp2, $4  }
0x52: {  	[hbm:s7], [sflag:s19] =	dma.local [spmem:s20], $0x2800  }
0x53: {  	_ =	swait.ge [sflag:s14], $0x2800  }
0x54: {  	[sflag:s14] =	ssyncset.done $0x0  }
0x55: {  	[sflag:s14] =	ssyncadd.s32 $0xFFFFD800  }
0x56: {  	_ =	sfence.sel $0x180000  }
0x57: {  	[bflag:$0x0] =	sbarrier.arrive $0xFFFF  }
0x58: {  	p0 =	sne.s32 s0, $0x0;
	_ =	strace $0x9000004D  }
0x59: {  	s0 =	sadd.s32 @!p0 $0x100000, s1;
	[bflag:$0x2] =	sbarrier.arrive $0xFFFF  }
0x5a: {  	[sflag:s0] =	ssyncadd.tile.s32 @!p0 $0x1;
	_ =	shalt  }
.Lfunc_end2:
_tile_overlayer_lowered:
.L_overlay_start_2:
0x5b: {  	(tag) =	ssettag $0x2  }
0x5c: {  	s0 =	rddreg [dreg:$0x0];
	s2 =	stileid.u32  }
0x5d: {  	s1 =	rddreg [dreg:$0x1];
	p0 =	sne.s32 s2, $0x0  }
0x5e: {  	s3 =	rddreg [dreg:$0x2];
	[bflag:$0x3] =	sbarrier.arrive $0xFFFF;
	s2 =	simm.s32 @!p0 $0x1C02  }
0x5f: {  	[timem:s3], [sflag:s2] =	dma.local @!p0 [hbm:s0], s1  }
0x60: {  	s0 =	simm.s32 @!p0 $0x2  }
0x61: {  	_ =	swait.ge @!p0 [sflag:s0], s1  }
0x62: {  	s1 =	ssub.s32 @!p0 $0x0, s1;
	[sflag:s0] =	ssyncset.done @!p0 $0x0  }
0x63: {  	[sflag:s0] =	ssyncadd.s32 @!p0 s1  }
0x64: {  	[bflag:$0x3] =	sbarrier.arrive $0xFFFF  }
0x65: {  	_ =	shalt  }

// kernel: kernel.8.cloned.1.call-start
scs
__scs_entry_jumppad:
0x0: {  	(pc) =	sbr.rel $0x88, $3  }
0x1: {  	(tag) =	ssettag $0x0;
	lr =	simm.s32 $0x1  }
0x2: {  	[smem:$0x3F99] =	sst lr;
	_ =	strace $0xD0000000  }
0x3: {  	_ = 	snop  }
0x4: {  	_ = 	snop  }
0x5: {  	_ = 	snop  }
0x6: {  	_ = 	snop  }
0x7: {  	_ = 	snop  }
__scs_overlays_trampoline_lowered:
0x8: {  	[smem:$0x3FA8] =	sst s0  }
0x9: {  	[smem:$0x3FA9] =	sst s1  }
0xa: {  	[smem:$0x3FAA] =	sst s2  }
0xb: {  	[smem:$0x3FAB] =	sst s3  }
0xc: {  	[smem:$0x3FAC] =	sst s4  }
0xd: {  	[smem:$0x3FAD] =	sst s5  }
0xe: {  	[smem:$0x3FAE] =	sst s6  }
0xf: {  	[smem:$0x3FAF] =	sst s7  }
0x10: {  	[smem:$0x3FB0] =	sst s8  }
0x11: {  	[smem:$0x3FB1] =	sst s9;
	s0 =	simm.s32 @!p0 $0x0  }
0x12: {  	s1 =	sld [smem:$0x3F97];
	s0 =	simm.s32 @p0 $0x1  }
0x13: {  	[smem:$0x3FB2] =	sst s0;
	s0 =	simm.s32 @!p1 $0x0  }
0x14: {  	s2 =	sld [smem:$0x3F96];
	s0 =	simm.s32 @p1 $0x1  }
0x15: {  	[smem:$0x3FB3] =	sst s0;
	s0 =	simm.s32 @!p2 $0x0  }
0x16: {  	s3 =	sld [smem:$0x3FDB];
	s0 =	simm.s32 @p2 $0x1  }
0x17: {  	s4 =	simm.s32 $0x1BF5;
	[smem:$0x3FB5] =	sst s0  }
0x18: {  	s0 =	sld [smem:$0x3F98];
	_ =	swait.ge [sflag:s4], $0x0  }
0x19: {  	s7 =	sld [smem:$0x3F99]  }
0x1a: {  	s8 =	sadd.s32 $0xFFFFE003, lr  }
0x1b: {  	s9 =	sadd.s32 $0xFFFFFEF7, lr;
	s5 =	simm.s32 $0xFFFFFFFF;
	p2 =	slt.u32 s8, $0xFFFFF086  }
0x1c: {  	p1 =	slt.u32 s9, $0xF7A;
	s5 =	simm.s32 @!p2 $0x0  }
0x1d: {  	s5 =	simm.s32 @p1 $0x1;
	p0 =	seq.s32 s7, s2  }
0x1e: {  	s7 =	smul.u32 @!p0 $0xF7A, s2;
	p2 =	seq.s32 @!p0 s5, $0x0  }
0x1f: {  	s9 =	smul.u32 $0xF7A, s1;
	s8 =	simm.s32 @!p0 $0x1BF5;
	p2 =	por !p2, p0  }
0x20: {  	[sflag:s8] =	ssyncset.s32 @!p0 $0xFFFFF086;
	s6 =	sadd.s32 @!p0 s3, s7;
	s7 =	simm.s32 @!p0 $0x108  }
0x21: {  	s3 =	sadd.s32 s3, s9;
	s6 =	sadd.s32 @!p0 $0x88, s6;
	s7 =	simm.s32 @p2 $0x1082  }
0x22: {  	[simem:s7], [sflag:s8] =	dma.local @!p0 [hbm:s6], $0xF7A  }
0x23: {  	s9 =	sor.u32 $0xD0000000, s2;
	s6 =	simm.s32 $0x108;
	_ =	swait.ge @!p0 [sflag:s8], $0x0  }
0x24: {  	s3 =	sadd.s32 $0x88, s3;
	s6 =	simm.s32 @!p1 $0x1082;
	[sflag:s4] =	ssyncset.s32 $0xFFFFF086  }
0x25: {  	[simem:s6], [sflag:s4] =	dma.local [hbm:s3], $0xF7A  }
0x26: {  	[smem:$0x3F99] =	sst s1;
	(tag) =	ssettag s2;
	_ =	strace s9  }
0x27: {  	s1 =	sld [smem:$0x3FA9]  }
0x28: {  	s2 =	sld [smem:$0x3FAA]  }
0x29: {  	s4 =	sld [smem:$0x3FAC]  }
0x2a: {  	p0 =	seq.s32 s5, $0x0;
	s5 =	sld [smem:$0x3FAD]  }
0x2b: {  	s6 =	sld [smem:$0x3FAE]  }
0x2c: {  	s7 =	sld [smem:$0x3FAF]  }
0x2d: {  	s3 =	simm.s32 $0x108;
	s8 =	sld [smem:$0x3FB0]  }
0x2e: {  	s3 =	simm.s32 @!p0 $0x1082;
	s9 =	sld [smem:$0x3FB1]  }
0x2f: {  	lr =	sadd.s32 s0, s3;
	s0 =	sld [smem:$0x3FA8]  }
0x30: {  	s3 =	sld [smem:$0x3FAB]  }
0x31: {  	[smem:$0x3FB4] =	sst s10  }
0x32: {  	s10 =	sld [smem:$0x3FB2];
	_ =	sdelay $0x3  }
0x33: {  	p0 =	seq.s32 s10, $0x1;
	s10 =	sld [smem:$0x3FB4];
	_ =	sdelay $0x3  }
0x34: {  	[smem:$0x3FB4] =	sst s10  }
0x35: {  	s10 =	sld [smem:$0x3FB3];
	_ =	sdelay $0x3  }
0x36: {  	p1 =	seq.s32 s10, $0x1;
	s10 =	sld [smem:$0x3FB4];
	_ =	sdelay $0x3  }
0x37: {  	[smem:$0x3FB4] =	sst s10  }
0x38: {  	s10 =	sld [smem:$0x3FB5]  }
0x39: {  	_ = 	snop;
	(pc) =	sbr.ind lr, $3  }
0x3a: {  	_ = 	snop  }
0x3b: {  	_ = 	snop  }
0x3c: {  	p2 =	seq.s32 s10, $0x1;
	s10 =	sld [smem:$0x3FB4]  }
0x3d: {  	_ =	shalt  }
0x3e: {  	_ =	shalt  }
0x3f: {  	_ =	shalt  }
0x40: {  	_ =	shalt  }
0x41: {  	_ =	shalt  }
0x42: {  	_ =	shalt  }
0x43: {  	_ =	shalt  }
0x44: {  	_ =	shalt  }
0x45: {  	_ =	shalt  }
0x46: {  	_ =	shalt  }
0x47: {  	_ =	shalt  }
0x48: {  	_ =	shalt  }
0x49: {  	_ =	shalt  }
0x4a: {  	_ =	shalt  }
0x4b: {  	_ =	shalt  }
0x4c: {  	_ =	shalt  }
0x4d: {  	_ =	shalt  }
0x4e: {  	_ =	shalt  }
0x4f: {  	_ =	shalt  }
0x50: {  	_ =	shalt  }
0x51: {  	_ =	shalt  }
0x52: {  	_ =	shalt  }
0x53: {  	_ =	shalt  }
0x54: {  	_ =	shalt  }
0x55: {  	_ =	shalt  }
0x56: {  	_ =	shalt  }
0x57: {  	_ =	shalt  }
0x58: {  	_ =	shalt  }
0x59: {  	_ =	shalt  }
0x5a: {  	_ =	shalt  }
0x5b: {  	_ =	shalt  }
0x5c: {  	_ =	shalt  }
0x5d: {  	_ =	shalt  }
0x5e: {  	_ =	shalt  }
0x5f: {  	_ =	shalt  }
0x60: {  	_ =	shalt  }
0x61: {  	_ =	shalt  }
0x62: {  	_ =	shalt  }
0x63: {  	_ =	shalt  }
0x64: {  	_ =	shalt  }
0x65: {  	_ =	shalt  }
0x66: {  	_ =	shalt  }
0x67: {  	_ =	shalt  }
0x68: {  	_ =	shalt  }
0x69: {  	_ =	shalt  }
0x6a: {  	_ =	shalt  }
0x6b: {  	_ =	shalt  }
0x6c: {  	_ =	shalt  }
0x6d: {  	_ =	shalt  }
0x6e: {  	_ =	shalt  }
0x6f: {  	_ =	shalt  }
0x70: {  	_ =	shalt  }
0x71: {  	_ =	shalt  }
0x72: {  	_ =	shalt  }
0x73: {  	_ =	shalt  }
0x74: {  	_ =	shalt  }
0x75: {  	_ =	shalt  }
0x76: {  	_ =	shalt  }
0x77: {  	_ =	shalt  }
0x78: {  	_ =	shalt  }
0x79: {  	_ =	shalt  }
0x7a: {  	_ =	shalt  }
0x7b: {  	_ =	shalt  }
0x7c: {  	_ =	shalt  }
0x7d: {  	_ =	shalt  }
0x7e: {  	_ =	shalt  }
0x7f: {  	_ =	shalt  }
0x80: {  	_ =	shalt  }
0x81: {  	_ =	shalt  }
0x82: {  	_ =	shalt  }
0x83: {  	_ =	shalt  }
0x84: {  	_ =	shalt  }
0x85: {  	_ =	shalt  }
0x86: {  	_ =	shalt  }
0x87: {  	_ =	shalt  }
.Lfunc_end0:
.L_simem_size_0:
called_computation_lowered:
.L_overlay_start_0:
0x88: {  	s2 =	sld [smem:$0x3FD9]  }
0x89: {  	s3 =	sld [smem:$0x3FFE];
	_ =	sdelay $0x1  }
0x8a: {  	s1 =	srdreg.scid  }
0x8b: {  	s0 =	sand.u32 $0x1, s1  }
0x8c: {  	s16 =	sshll.u32 s0, $0xA;
	s2 =	sadd.s32 s3, s2  }
0x8d: {  	s2 =	sadd.s32 s2, s16  }
0x8e: {  	[smem:$0x3FC0] =	sst s2  }
0x8f: {  	_ = 	snop  }
0x90: {  	(tm) =	ssettm $0x1  }
0x91: {  	s17 =	sld [smem:$0x3FFB];
	_ =	sdelay $0x3  }
0x92: {  	_ =	strace s17  }
0x93: {  	s2 =	sld [smem:$0x3FFC];
	_ =	sdelay $0x3  }
0x94: {  	_ =	strace s2  }
0x95: {  	s2 =	sld [smem:$0x3FFD];
	_ =	sdelay $0x3  }
0x96: {  	_ =	strace s2  }
0x97: {  	_ =	strace $0x8FFFFFFF  }
0x98: {  	s18 =	sld [smem:$0x3FDB];
	_ =	sdelay $0x1  }
0x99: {  	s19 =	simm.s32 $_scs_section_size  }
0x9a: {  	s4 =	simm.s32 $_size__tile_overlayer_lowered;
	s5 =	simm.s32 $_tile_overlayer_lowered  }
0x9b: {  	s22 =	simm.s32 $0x1BFF;
	s21 =	sshll.u32 s5, $0x1;
	s2 =	sadd.s32 s19, s18  }
0x9c: {  	s6 =	simm.s32 $0x0;
	s20 =	sshll.u32 s4, $0x1;
	s4 =	sadd.s32 s21, s2  }
0x9d: {  	[timem:s6], [sflag:s22] =	dma.local [hbm:s4], s20  }
0x9e: {  	_ =	swait.ge [sflag:s22], s20  }
0x9f: {  	s3 =	ssub.s32 $0x0, s20;
	[sflag:s22] =	ssyncset.done $0x0  }
0xa0: {  	[sflag:s22] =	ssyncadd.s32 s3;
	_ =	sdelay $0x1  }
0xa1: {  	s23 =	simm.s32 $0x1B8B  }
0xa2: {  	_ =	swait.ge [sflag:s23], $0x1  }
0xa3: {  	[sflag:s23] =	ssyncset.done $0x0  }
0xa4: {  	s25 =	simm.s32 $0x1B8E;
	s24 =	sld [smem:$0x3FFE];
	[sflag:s23] =	ssyncadd.s32 $0xFFFFFFFF  }
0xa5: {  	s26 =	simm.s32 $execute0_lowered;
	[smem:$0x3FD2] =	sst s25  }
0xa6: {  	s4 =	sshll.u32 s26, $0x1;
	_ =	strace $0x80000046;
	[dreg:$0x1] =	wrdreg $0xFFFFFFFF  }
0xa7: {  	s28 =	simm.s32 $_size_execute0_lowered;
	s2 =	sadd.s32 s2, s4;
	[dreg:$0x0] =	wrdreg $0x0  }
0xa8: {  	s4 =	sshll.u32 s28, $0x1;
	[dreg:$0x2] =	wrdreg s2  }
0xa9: {  	[dreg:$0x3] =	wrdreg s4  }
0xaa: {  	[dreg:$0x4] =	wrdreg $0xC0  }
0xab: {  	_ =	task [dreg:s6], $0x5FFFF  }
0xac: {  	[dreg:$0x1] =	wrdreg $0xFFFFFFFF  }
0xad: {  	[dreg:$0x0] =	wrdreg $0x60  }
0xae: {  	[dreg:$0x2] =	wrdreg s24  }
0xaf: {  	[dreg:$0x3] =	wrdreg $0x68000  }
0xb0: {  	[dreg:$0x4] =	wrdreg $0x9  }
0xb1: {  	_ =	task.clear_ibuf [dreg:s6], $0x5FFFF;
	_ =	strace $0x90000046  }
0xb2: {  	s29 =	simm.s32 $0x9;
	_ =	strace $0x80000048  }
0xb3: {  	_ =	swait.ge [sflag:s29], $0x1  }
0xb4: {  	[sflag:s29] =	ssyncadd.s32 $0xFFFFFFFF  }
0xb5: {  	_ =	strace $0x90000048  }
0xb6: {  	_ =	sfence  }
0xb7: {  	s30 =	sld [smem:$0x0];
	_ =	sdelay $0x2  }
0xb8: {  	s31 =	sshll.u32 s1, $0xD;
	s1 =	sshrl.u32 s1, $0x2  }
0xb9: {  	s3 =	sand.u32 $0x4000, s31;
	s1 =	sadd.s32 s1, s30  }
0xba: {  	s0 =	sor.u32 s3, s0;
	s1 =	sshll.u32 s1, $0x11  }
0xbb: {  	s0 =	sor.u32 s1, s0  }
0xbc: {  	s0 =	sadd.s32 $0x8F2B, s0  }
0xbd: {  	[sflag:s0] =	ssyncadd.remote.s32 $0x1  }
0xbe: {  	_ =	sfence.sel $0xFFFF  }
0xbf: {  	[dreg:$0x0] =	wrdreg $0xFFFFFFFF;
	(pc) =	sbr.abs _section_cstart, $3  }
0xc0: {  	[dreg:$0x1] =	wrdreg $0xFFFFFFFF  }
0xc1: {  	_ =	task.clear_ibuf [dreg:s6], $0x2FFFF;
	_ =	strace $0x9FFFFFFF  }
0xc2: {  	(tm) =	ssettm $0x7FFFFFFF  }
0xc3: {  	_ =	shalt  }
tec
execute0_lowered:
.L_overlay_start_1:
0x0: {  	(tag) =	ssettag $0x1  }
0x1: {  	s0 =	rddreg [dreg:$0x0];
	s7 =	stileid.u32  }
0x2: {  	s1 =	srdreg.scid;
	s4 =	smul.u32 $0x500, s7  }
0x3: {  	s2 =	rddreg [dreg:$0x1];
	s3 =	simm.s32 $0x0;
	s6 =	smul.u32 $0x2800, s7  }
0x4: {  	s1 =	sand.u32 $0x1, s1;
	[smem:$0x7FF] =	sst s3;
	s7 =	smul.u32 $0x50000, s7  }
0x5: {  	s5 =	smul.u32 $0x28000, s1;
	_ =	strace $0x80000047;
	s21 =	ssub.s32 $0x2, s1  }
0x6: {  	s8 =	sadd.s32 s4, s0;
	s22 =	sshrl.u32 s21, $0x1;
	s23 =	sshrl.u32 s7, $0x2  }
0x7: {  	s20 =	sadd.s32 s6, s5;
	s5 =	ssub.s32 s21, s22;
	s24 =	sadd.s32 $0x3600, s8  }
0x8: {  	s4 =	sadd.s32 s23, s2;
	[dreg:$0x3] =	wrdreg s24;
	s25 =	smax.u32 s5, $0x1  }
0x9: {  	s26 =	sadd.s32 $0x4000, s4;
	[dreg:$0x5] =	wrdreg s25  }
0xa: {  	s31 =	sadd.s32 $0x8000, s4;
	[dreg:$0x6] =	wrdreg s26  }
0xb: {  	s6 =	sshll.u32 s1, $0x7;
	s1 =	sadd.s32 $0xC000, s4;
	[dreg:$0x7] =	wrdreg s31  }
0xc: {  	s5 =	sadd.s32 $0x10000, s4;
	[dreg:$0x8] =	wrdreg s1  }
0xd: {  	s7 =	sor.u32 $0x100, s6;
	[dreg:$0x9] =	wrdreg s5  }
0xe: {  	s8 =	sor.u32 $0x200, s6;
	[dreg:$0xa] =	wrdreg s7  }
0xf: {  	s9 =	sor.u32 $0x300, s6;
	[dreg:$0xb] =	wrdreg s8  }
0x10: {  	s10 =	sor.u32 $0x400, s6;
	[dreg:$0xc] =	wrdreg s9  }
0x11: {  	s11 =	sor.u32 $0x500, s6;
	[dreg:$0xd] =	wrdreg s10  }
0x12: {  	s12 =	sor.u32 $0x600, s6;
	[dreg:$0xe] =	wrdreg s11  }
0x13: {  	s13 =	sor.u32 $0x700, s6;
	[dreg:$0xf] =	wrdreg s12  }
0x14: {  	s14 =	sor.u32 $0x800, s6;
	[dreg:$0x10] =	wrdreg s13  }
0x15: {  	s15 =	sor.u32 $0x900, s6;
	[dreg:$0x11] =	wrdreg s14  }
0x16: {  	s16 =	sor.u32 $0xA00, s6;
	[dreg:$0x12] =	wrdreg s15  }
0x17: {  	s17 =	sor.u32 $0xB00, s6;
	[dreg:$0x13] =	wrdreg s16  }
0x18: {  	s18 =	sor.u32 $0xC00, s6;
	[dreg:$0x14] =	wrdreg s17  }
0x19: {  	s19 =	sor.u32 $0xD00, s6;
	[dreg:$0x15] =	wrdreg s18  }
0x1a: {  	s0 =	sadd.s32 s20, s0;
	s20 =	sor.u32 $0xE00, s6;
	[dreg:$0x16] =	wrdreg s19  }
0x1b: {  	s21 =	sor.u32 $0xF00, s6;
	[dreg:$0x17] =	wrdreg s20  }
0x1c: {  	s22 =	sor.u32 $0x1000, s6;
	[dreg:$0x18] =	wrdreg s21  }
0x1d: {  	s28 =	simm.s32 $0x80;
	s23 =	sor.u32 $0x1100, s6;
	[dreg:$0x19] =	wrdreg s22  }
0x1e: {  	s29 =	simm.s32 $0x1;
	s24 =	sor.u32 $0x1200, s6;
	[dreg:$0x1a] =	wrdreg s23  }
0x1f: {  	s30 =	simm.s32 $0x0;
	s0 =	sadd.s32 $0x8600, s0;
	[dreg:$0x1b] =	wrdreg s24  }
0x20: {  	s25 =	sor.u32 $0x1300, s6;
	s26 =	sor.u32 $0x1400, s6;
	s31 =	sor.u32 $0x1500, s6  }
0x21: {  	s7 =	sor.u32 $0x1600, s6;
	s8 =	sor.u32 $0x1700, s6;
	s9 =	sor.u32 $0x1800, s6  }
0x22: {  	s10 =	sor.u32 $0x1900, s6;
	s11 =	sor.u32 $0x1A00, s6;
	s12 =	sor.u32 $0x1B00, s6  }
0x23: {  	s13 =	sor.u32 $0x1C00, s6;
	s14 =	sor.u32 $0x1D00, s6;
	s15 =	sor.u32 $0x1E00, s6  }
0x24: {  	s16 =	sor.u32 $0x1F00, s6;
	s17 =	sor.u32 $0x2000, s6;
	s18 =	sor.u32 $0x2100, s6  }
0x25: {  	s19 =	sor.u32 $0x2200, s6;
	s20 =	sor.u32 $0x2300, s6;
	[dreg:$0x4] =	wrdreg s0  }
0x26: {  	s21 =	sor.u32 $0x2400, s6;
	s22 =	sor.u32 $0x2500, s6;
	[dreg:$0x1c] =	wrdreg s25  }
0x27: {  	s23 =	sor.u32 $0x2600, s6;
	s24 =	sor.u32 $0x2700, s6;
	[dreg:$0x1d] =	wrdreg s26  }
0x28: {  	v0 =	vimm.f32 $0.0e+00;
	v1 =	vimm.f32 $1.000000000e+00;
	[dreg:$0x1e] =	wrdreg s31;
	s25 =	simm.s32 $0x2800;
	s26 =	simm.s32 $0x2  }
.LBB2_1:
0x29: {  	s0 =	sand.u32 $0xFE00, s3  }
0x2a: {  	s1 =	sand.u32 $0x70, s3;
	s0 =	sshrl.u32 s0, $0x2  }
0x2b: {  	s31 =	simm.s32 $0x40;
	s0 =	sor.u32 s1, s0;
	s1 =	simm.s32 $0x0  }
.LBB2_2:
0x2c: {  	p0 =	sne.s32 s31, $0xFFC0  }
0x2d: {  	[tilespmem:s0+$0x2800] =	vst v0;
	s1 =	sadd.s32 $0x10, s1;
	s0 =	smov.u32 s31;
	s31 =	sadd.s32 $0x40, s31  }
.Ltmp0:
0x2e: {  	(pc) =	sbr.rel @p0 .LBB2_2-.Ltmp0, $4  }
0x2f: {  	_ = 	snop  }
0x30: {  	s0 =	sand.u32 $0xFE00, s0  }
0x31: {  	s5 =	sand.u32 $0x70, s1;
	s0 =	sshrl.u32 s0, $0x2  }
0x32: {  	s0 =	sor.u32 s5, s0  }
0x33: {  	[tilespmem:s0+$0x2800] =	vst v0  }
0x34: {  	[spmem:s4] =	stream.linear.scatter [tilespmem:s25], [sflag:$0x2], $0x4000, $0x38;
	[tilespmem:$0x1A800] =	vst v63  }
0x35: {  	_ =	swait.ge [sflag:s26], $0x4000  }
0x36: {  	[sflag:s26] =	ssyncset.done $0x0  }
0x37: {  	s1 =	rddreg [dreg:$0x6];
	[sflag:s26] =	ssyncadd.s32 $0xFFFFC000  }
0x38: {  	[spmem:s1] =	stream.linear.scatter [tilespmem:s25], [sflag:$0x2], $0x4000, $0x38;
	[tilespmem:$0x1A800] =	vst v63  }
0x39: {  	_ =	swait.ge [sflag:s26], $0x4000  }
0x3a: {  	[sflag:s26] =	ssyncset.done $0x0  }
0x3b: {  	s5 =	rddreg [dreg:$0x7];
	[sflag:s26] =	ssyncadd.s32 $0xFFFFC000  }
0x3c: {  	[spmem:s5] =	stream.linear.scatter [tilespmem:s25], [sflag:$0x2], $0x4000, $0x38;
	[tilespmem:$0x1A800] =	vst v63  }
0x3d: {  	_ =	swait.ge [sflag:s26], $0x4000  }
0x3e: {  	[sflag:s26] =	ssyncset.done $0x0  }
0x3f: {  	s1 =	rddreg [dreg:$0x8];
	[sflag:s26] =	ssyncadd.s32 $0xFFFFC000  }
0x40: {  	[spmem:s1] =	stream.linear.scatter [tilespmem:s25], [sflag:$0x2], $0x4000, $0x38;
	[tilespmem:$0x1A800] =	vst v63  }
0x41: {  	_ =	swait.ge [sflag:s26], $0x4000  }
0x42: {  	[sflag:s26] =	ssyncset.done $0x0  }
0x43: {  	s31 =	simm.s32 $0x0;
	s5 =	rddreg [dreg:$0x9];
	[sflag:s26] =	ssyncadd.s32 $0xFFFFC000  }
0x44: {  	[spmem:s5] =	stream.linear.scatter [tilespmem:s25], [sflag:$0x2], $0x4000, $0x38;
	[tilespmem:$0x1A800] =	vst v63  }
0x45: {  	s1 =	sand.u32 $0xFE00, s31;
	_ =	swait.ge [sflag:s26], $0x4000  }
0x46: {  	s0 =	sshrl.u32 s1, $0x2;
	s5 =	sand.u32 $0x70, s31;
	[sflag:s26] =	ssyncset.done $0x0  }
0x47: {  	s1 =	simm.s32 $0x40;
	s0 =	sor.u32 s5, s0;
	[sflag:s26] =	ssyncadd.s32 $0xFFFFC000  }
.LBB2_4:
0x48: {  	p0 =	sne.s32 s1, $0xFFC0  }
0x49: {  	[tilespmem:s0+$0x2800] =	vst v1;
	s31 =	sadd.s32 $0x10, s31;
	s0 =	smov.u32 s1;
	s1 =	sadd.s32 $0x40, s1  }
.Ltmp1:
0x4a: {  	(pc) =	sbr.rel @p0 .LBB2_4-.Ltmp1, $4  }
0x4b: {  	_ = 	snop  }
0x4c: {  	s0 =	sand.u32 $0xFE00, s0  }
0x4d: {  	s5 =	sand.u32 $0x70, s31;
	s0 =	sshrl.u32 s0, $0x2  }
0x4e: {  	s0 =	sor.u32 s5, s0  }
0x4f: {  	[tilespmem:s0+$0x2800] =	vst v1;
	s1 =	rddreg [dreg:$0x3]  }
0x50: {  	[tilespmem:s3], [sflag:$0x2] =	stream.linear.gather [hbm4b:s1+s3], $0x2800, $0x38;
	[tilespmem:$0x1A800] =	vst v63  }
0x51: {  	_ =	swait.ge [sflag:s26], $0x2800  }
0x52: {  	[sflag:s26] =	ssyncset.done $0x0  }
0x53: {  	[sflag:s26] =	ssyncadd.s32 $0xFFFFD800  }
0x54: {  	[bflag:$0x0] =	sbarrier.arrive $0xFFFF  }
0x55: {  	[spmem:s2] =	stream.indirect.scatter.add.f32 [tilespmem:s25], [sflag:$0x1], $0x80, s6, s28, $0xb8;
	[tilespmem:$0x1A800] =	vst v63  }
0x56: {  	s5 =	rddreg [dreg:$0xa]  }
0x57: {  	[spmem:s2] =	stream.indirect.scatter.add.f32 [tilespmem:s25], [sflag:$0x1], $0x80, s5, s28, $0xb8;
	[tilespmem:$0x1A800] =	vst v63  }
0x58: {  	s31 =	rddreg [dreg:$0xb]  }
0x59: {  	[spmem:s2] =	stream.indirect.scatter.add.f32 [tilespmem:s25], [sflag:$0x1], $0x80, s31, s28, $0xb8;
	[tilespmem:$0x1A800] =	vst v63  }
0x5a: {  	s1 =	rddreg [dreg:$0xc]  }
0x5b: {  	[spmem:s2] =	stream.indirect.scatter.add.f32 [tilespmem:s25], [sflag:$0x1], $0x80, s1, s28, $0xb8;
	[tilespmem:$0x1A800] =	vst v63  }
0x5c: {  	s5 =	rddreg [dreg:$0xd]  }
0x5d: {  	[spmem:s2] =	stream.indirect.scatter.add.f32 [tilespmem:s25], [sflag:$0x1], $0x80, s5, s28, $0xb8;
	[tilespmem:$0x1A800] =	vst v63  }
0x5e: {  	s31 =	rddreg [dreg:$0xe]  }
0x5f: {  	[spmem:s2] =	stream.indirect.scatter.add.f32 [tilespmem:s25], [sflag:$0x1], $0x80, s31, s28, $0xb8;
	[tilespmem:$0x1A800] =	vst v63  }
0x60: {  	s1 =	rddreg [dreg:$0xf]  }
0x61: {  	[spmem:s2] =	stream.indirect.scatter.add.f32 [tilespmem:s25], [sflag:$0x1], $0x80, s1, s28, $0xb8;
	[tilespmem:$0x1A800] =	vst v63  }
0x62: {  	s5 =	rddreg [dreg:$0x10]  }
0x63: {  	[spmem:s2] =	stream.indirect.scatter.add.f32 [tilespmem:s25], [sflag:$0x1], $0x80, s5, s28, $0xb8;
	[tilespmem:$0x1A800] =	vst v63  }
0x64: {  	_ =	swait.ge [sflag:s29], $0x4000  }
0x65: {  	[sflag:s29] =	ssyncset.done $0x0  }
0x66: {  	[sflag:s29] =	ssyncadd.s32 $0xFFFFC000  }
0x67: {  	_ =	swait.ge [sflag:s29], $0x4000  }
0x68: {  	[sflag:s29] =	ssyncset.done $0x0  }
0x69: {  	[sflag:s29] =	ssyncadd.s32 $0xFFFFC000  }
0x6a: {  	_ =	swait.ge [sflag:s29], $0x4000  }
0x6b: {  	[sflag:s29] =	ssyncset.done $0x0  }
0x6c: {  	[sflag:s29] =	ssyncadd.s32 $0xFFFFC000  }
0x6d: {  	_ =	swait.ge [sflag:s29], $0x4000  }
0x6e: {  	[sflag:s29] =	ssyncset.done $0x0  }
0x6f: {  	[sflag:s29] =	ssyncadd.s32 $0xFFFFC000  }
0x70: {  	_ =	swait.ge [sflag:s29], $0x4000  }
0x71: {  	[sflag:s29] =	ssyncset.done $0x0  }
0x72: {  	[sflag:s29] =	ssyncadd.s32 $0xFFFFC000  }
0x73: {  	_ =	swait.ge [sflag:s29], $0x4000  }
0x74: {  	[sflag:s29] =	ssyncset.done $0x0  }
0x75: {  	[sflag:s29] =	ssyncadd.s32 $0xFFFFC000  }
0x76: {  	_ =	swait.ge [sflag:s29], $0x4000  }
0x77: {  	[sflag:s29] =	ssyncset.done $0x0  }
0x78: {  	[sflag:s29] =	ssyncadd.s32 $0xFFFFC000  }
0x79: {  	_ =	swait.ge [sflag:s29], $0x4000  }
0x7a: {  	[sflag:s29] =	ssyncset.done $0x0  }
0x7b: {  	s31 =	rddreg [dreg:$0x11];
	[sflag:s29] =	ssyncadd.s32 $0xFFFFC000  }
0x7c: {  	[spmem:s2] =	stream.indirect.scatter.add.f32 [tilespmem:s25], [sflag:$0x1], $0x80, s31, s28, $0xb8;
	[tilespmem:$0x1A800] =	vst v63  }
0x7d: {  	s1 =	rddreg [dreg:$0x12]  }
0x7e: {  	[spmem:s2] =	stream.indirect.scatter.add.f32 [tilespmem:s25], [sflag:$0x1], $0x80, s1, s28, $0xb8;
	[tilespmem:$0x1A800] =	vst v63  }
0x7f: {  	s5 =	rddreg [dreg:$0x13]  }
0x80: {  	[spmem:s2] =	stream.indirect.scatter.add.f32 [tilespmem:s25], [sflag:$0x1], $0x80, s5, s28, $0xb8;
	[tilespmem:$0x1A800] =	vst v63  }
0x81: {  	s31 =	rddreg [dreg:$0x14]  }
0x82: {  	[spmem:s2] =	stream.indirect.scatter.add.f32 [tilespmem:s25], [sflag:$0x1], $0x80, s31, s28, $0xb8;
	[tilespmem:$0x1A800] =	vst v63  }
0x83: {  	s1 =	rddreg [dreg:$0x15]  }
0x84: {  	[spmem:s2] =	stream.indirect.scatter.add.f32 [tilespmem:s25], [sflag:$0x1], $0x80, s1, s28, $0xb8;
	[tilespmem:$0x1A800] =	vst v63  }
0x85: {  	s5 =	rddreg [dreg:$0x16]  }
0x86: {  	[spmem:s2] =	stream.indirect.scatter.add.f32 [tilespmem:s25], [sflag:$0x1], $0x80, s5, s28, $0xb8;
	[tilespmem:$0x1A800] =	vst v63  }
0x87: {  	s31 =	rddreg [dreg:$0x17]  }
0x88: {  	[spmem:s2] =	stream.indirect.scatter.add.f32 [tilespmem:s25], [sflag:$0x1], $0x80, s31, s28, $0xb8;
	[tilespmem:$0x1A800] =	vst v63  }
0x89: {  	s1 =	rddreg [dreg:$0x18]  }
0x8a: {  	[spmem:s2] =	stream.indirect.scatter.add.f32 [tilespmem:s25], [sflag:$0x1], $0x80, s1, s28, $0xb8;
	[tilespmem:$0x1A800] =	vst v63  }
0x8b: {  	_ =	swait.ge [sflag:s29], $0x4000  }
0x8c: {  	[sflag:s29] =	ssyncset.done $0x0  }
0x8d: {  	[sflag:s29] =	ssyncadd.s32 $0xFFFFC000  }
0x8e: {  	_ =	swait.ge [sflag:s29], $0x4000  }
0x8f: {  	[sflag:s29] =	ssyncset.done $0x0  }
0x90: {  	[sflag:s29] =	ssyncadd.s32 $0xFFFFC000  }
0x91: {  	_ =	swait.ge [sflag:s29], $0x4000  }
0x92: {  	[sflag:s29] =	ssyncset.done $0x0  }
0x93: {  	[sflag:s29] =	ssyncadd.s32 $0xFFFFC000  }
0x94: {  	_ =	swait.ge [sflag:s29], $0x4000  }
0x95: {  	[sflag:s29] =	ssyncset.done $0x0  }
0x96: {  	[sflag:s29] =	ssyncadd.s32 $0xFFFFC000  }
0x97: {  	_ =	swait.ge [sflag:s29], $0x4000  }
0x98: {  	[sflag:s29] =	ssyncset.done $0x0  }
0x99: {  	[sflag:s29] =	ssyncadd.s32 $0xFFFFC000  }
0x9a: {  	_ =	swait.ge [sflag:s29], $0x4000  }
0x9b: {  	[sflag:s29] =	ssyncset.done $0x0  }
0x9c: {  	[sflag:s29] =	ssyncadd.s32 $0xFFFFC000  }
0x9d: {  	_ =	swait.ge [sflag:s29], $0x4000  }
0x9e: {  	[sflag:s29] =	ssyncset.done $0x0  }
0x9f: {  	[sflag:s29] =	ssyncadd.s32 $0xFFFFC000  }
0xa0: {  	_ =	swait.ge [sflag:s29], $0x4000  }
0xa1: {  	[sflag:s29] =	ssyncset.done $0x0  }
0xa2: {  	s5 =	rddreg [dreg:$0x19];
	[sflag:s29] =	ssyncadd.s32 $0xFFFFC000  }
0xa3: {  	[spmem:s2] =	stream.indirect.scatter.add.f32 [tilespmem:s25], [sflag:$0x1], $0x80, s5, s28, $0xb8;
	[tilespmem:$0x1A800] =	vst v63  }
0xa4: {  	s31 =	rddreg [dreg:$0x1a]  }
0xa5: {  	[spmem:s2] =	stream.indirect.scatter.add.f32 [tilespmem:s25], [sflag:$0x1], $0x80, s31, s28, $0xb8;
	[tilespmem:$0x1A800] =	vst v63  }
0xa6: {  	s1 =	rddreg [dreg:$0x1b]  }
0xa7: {  	[spmem:s2] =	stream.indirect.scatter.add.f32 [tilespmem:s25], [sflag:$0x1], $0x80, s1, s28, $0xb8;
	[tilespmem:$0x1A800] =	vst v63  }
0xa8: {  	s5 =	rddreg [dreg:$0x1c]  }
0xa9: {  	[spmem:s2] =	stream.indirect.scatter.add.f32 [tilespmem:s25], [sflag:$0x1], $0x80, s5, s28, $0xb8;
	[tilespmem:$0x1A800] =	vst v63  }
0xaa: {  	s31 =	rddreg [dreg:$0x1d]  }
0xab: {  	[spmem:s2] =	stream.indirect.scatter.add.f32 [tilespmem:s25], [sflag:$0x1], $0x80, s31, s28, $0xb8;
	[tilespmem:$0x1A800] =	vst v63  }
0xac: {  	s1 =	rddreg [dreg:$0x1e]  }
0xad: {  	[spmem:s2] =	stream.indirect.scatter.add.f32 [tilespmem:s25], [sflag:$0x1], $0x80, s1, s28, $0xb8;
	[tilespmem:$0x1A800] =	vst v63  }
0xae: {  	_ = 	snop  }
0xaf: {  	[spmem:s2] =	stream.indirect.scatter.add.f32 [tilespmem:s25], [sflag:$0x1], $0x80, s7, s28, $0xb8;
	[tilespmem:$0x1A800] =	vst v63  }
0xb0: {  	_ = 	snop  }
0xb1: {  	[spmem:s2] =	stream.indirect.scatter.add.f32 [tilespmem:s25], [sflag:$0x1], $0x80, s8, s28, $0xb8;
	[tilespmem:$0x1A800] =	vst v63  }
0xb2: {  	_ =	swait.ge [sflag:s29], $0x4000  }
0xb3: {  	[sflag:s29] =	ssyncset.done $0x0  }
0xb4: {  	[sflag:s29] =	ssyncadd.s32 $0xFFFFC000  }
0xb5: {  	_ =	swait.ge [sflag:s29], $0x4000  }
0xb6: {  	[sflag:s29] =	ssyncset.done $0x0  }
0xb7: {  	[sflag:s29] =	ssyncadd.s32 $0xFFFFC000  }
0xb8: {  	_ =	swait.ge [sflag:s29], $0x4000  }
0xb9: {  	[sflag:s29] =	ssyncset.done $0x0  }
0xba: {  	[sflag:s29] =	ssyncadd.s32 $0xFFFFC000  }
0xbb: {  	_ =	swait.ge [sflag:s29], $0x4000  }
0xbc: {  	[sflag:s29] =	ssyncset.done $0x0  }
0xbd: {  	[sflag:s29] =	ssyncadd.s32 $0xFFFFC000  }
0xbe: {  	_ =	swait.ge [sflag:s29], $0x4000  }
0xbf: {  	[sflag:s29] =	ssyncset.done $0x0  }
0xc0: {  	[sflag:s29] =	ssyncadd.s32 $0xFFFFC000  }
0xc1: {  	_ =	swait.ge [sflag:s29], $0x4000  }
0xc2: {  	[sflag:s29] =	ssyncset.done $0x0  }
0xc3: {  	[sflag:s29] =	ssyncadd.s32 $0xFFFFC000  }
0xc4: {  	_ =	swait.ge [sflag:s29], $0x4000  }
0xc5: {  	[sflag:s29] =	ssyncset.done $0x0  }
0xc6: {  	[sflag:s29] =	ssyncadd.s32 $0xFFFFC000  }
0xc7: {  	_ =	swait.ge [sflag:s29], $0x4000  }
0xc8: {  	[sflag:s29] =	ssyncset.done $0x0  }
0xc9: {  	[sflag:s29] =	ssyncadd.s32 $0xFFFFC000  }
0xca: {  	[spmem:s2] =	stream.indirect.scatter.add.f32 [tilespmem:s25], [sflag:$0x1], $0x80, s9, s28, $0xb8;
	[tilespmem:$0x1A800] =	vst v63  }
0xcb: {  	_ = 	snop  }
0xcc: {  	[spmem:s2] =	stream.indirect.scatter.add.f32 [tilespmem:s25], [sflag:$0x1], $0x80, s10, s28, $0xb8;
	[tilespmem:$0x1A800] =	vst v63  }
0xcd: {  	_ = 	snop  }
0xce: {  	[spmem:s2] =	stream.indirect.scatter.add.f32 [tilespmem:s25], [sflag:$0x1], $0x80, s11, s28, $0xb8;
	[tilespmem:$0x1A800] =	vst v63  }
0xcf: {  	_ = 	snop  }
0xd0: {  	[spmem:s2] =	stream.indirect.scatter.add.f32 [tilespmem:s25], [sflag:$0x1], $0x80, s12, s28, $0xb8;
	[tilespmem:$0x1A800] =	vst v63  }
0xd1: {  	_ = 	snop  }
0xd2: {  	[spmem:s2] =	stream.indirect.scatter.add.f32 [tilespmem:s25], [sflag:$0x1], $0x80, s13, s28, $0xb8;
	[tilespmem:$0x1A800] =	vst v63  }
0xd3: {  	_ = 	snop  }
0xd4: {  	[spmem:s2] =	stream.indirect.scatter.add.f32 [tilespmem:s25], [sflag:$0x1], $0x80, s14, s28, $0xb8;
	[tilespmem:$0x1A800] =	vst v63  }
0xd5: {  	_ = 	snop  }
0xd6: {  	[spmem:s2] =	stream.indirect.scatter.add.f32 [tilespmem:s25], [sflag:$0x1], $0x80, s15, s28, $0xb8;
	[tilespmem:$0x1A800] =	vst v63  }
0xd7: {  	_ = 	snop  }
0xd8: {  	[spmem:s2] =	stream.indirect.scatter.add.f32 [tilespmem:s25], [sflag:$0x1], $0x80, s16, s28, $0xb8;
	[tilespmem:$0x1A800] =	vst v63  }
0xd9: {  	_ =	swait.ge [sflag:s29], $0x4000  }
0xda: {  	[sflag:s29] =	ssyncset.done $0x0  }
0xdb: {  	[sflag:s29] =	ssyncadd.s32 $0xFFFFC000  }
0xdc: {  	_ =	swait.ge [sflag:s29], $0x4000  }
0xdd: {  	[sflag:s29] =	ssyncset.done $0x0  }
0xde: {  	[sflag:s29] =	ssyncadd.s32 $0xFFFFC000  }
0xdf: {  	_ =	swait.ge [sflag:s29], $0x4000  }
0xe0: {  	[sflag:s29] =	ssyncset.done $0x0  }
0xe1: {  	[sflag:s29] =	ssyncadd.s32 $0xFFFFC000  }
0xe2: {  	_ =	swait.ge [sflag:s29], $0x4000  }
0xe3: {  	[sflag:s29] =	ssyncset.done $0x0  }
0xe4: {  	[sflag:s29] =	ssyncadd.s32 $0xFFFFC000  }
0xe5: {  	_ =	swait.ge [sflag:s29], $0x4000  }
0xe6: {  	[sflag:s29] =	ssyncset.done $0x0  }
0xe7: {  	[sflag:s29] =	ssyncadd.s32 $0xFFFFC000  }
0xe8: {  	_ =	swait.ge [sflag:s29], $0x4000  }
0xe9: {  	[sflag:s29] =	ssyncset.done $0x0  }
0xea: {  	[sflag:s29] =	ssyncadd.s32 $0xFFFFC000  }
0xeb: {  	_ =	swait.ge [sflag:s29], $0x4000  }
0xec: {  	[sflag:s29] =	ssyncset.done $0x0  }
0xed: {  	[sflag:s29] =	ssyncadd.s32 $0xFFFFC000  }
0xee: {  	_ =	swait.ge [sflag:s29], $0x4000  }
0xef: {  	[sflag:s29] =	ssyncset.done $0x0  }
0xf0: {  	[sflag:s29] =	ssyncadd.s32 $0xFFFFC000  }
0xf1: {  	[spmem:s2] =	stream.indirect.scatter.add.f32 [tilespmem:s25], [sflag:$0x1], $0x80, s17, s28, $0xb8;
	[tilespmem:$0x1A800] =	vst v63  }
0xf2: {  	_ = 	snop  }
0xf3: {  	[spmem:s2] =	stream.indirect.scatter.add.f32 [tilespmem:s25], [sflag:$0x1], $0x80, s18, s28, $0xb8;
	[tilespmem:$0x1A800] =	vst v63  }
0xf4: {  	_ = 	snop  }
0xf5: {  	[spmem:s2] =	stream.indirect.scatter.add.f32 [tilespmem:s25], [sflag:$0x1], $0x80, s19, s28, $0xb8;
	[tilespmem:$0x1A800] =	vst v63  }
0xf6: {  	_ = 	snop  }
0xf7: {  	[spmem:s2] =	stream.indirect.scatter.add.f32 [tilespmem:s25], [sflag:$0x1], $0x80, s20, s28, $0xb8;
	[tilespmem:$0x1A800] =	vst v63  }
0xf8: {  	_ = 	snop  }
0xf9: {  	[spmem:s2] =	stream.indirect.scatter.add.f32 [tilespmem:s25], [sflag:$0x1], $0x80, s21, s28, $0xb8;
	[tilespmem:$0x1A800] =	vst v63  }
0xfa: {  	_ = 	snop  }
0xfb: {  	[spmem:s2] =	stream.indirect.scatter.add.f32 [tilespmem:s25], [sflag:$0x1], $0x80, s22, s28, $0xb8;
	[tilespmem:$0x1A800] =	vst v63  }
0xfc: {  	_ = 	snop  }
0xfd: {  	[spmem:s2] =	stream.indirect.scatter.add.f32 [tilespmem:s25], [sflag:$0x1], $0x80, s23, s28, $0xb8;
	[tilespmem:$0x1A800] =	vst v63  }
0xfe: {  	_ = 	snop  }
0xff: {  	[spmem:s2] =	stream.indirect.scatter.add.f32 [tilespmem:s25], [sflag:$0x1], $0x80, s24, s28, $0xb8;
	[tilespmem:$0x1A800] =	vst v63  }
0x100: {  	_ =	swait.ge [sflag:s29], $0x4000  }
0x101: {  	[sflag:s29] =	ssyncset.done $0x0  }
0x102: {  	[sflag:s29] =	ssyncadd.s32 $0xFFFFC000  }
0x103: {  	_ =	swait.ge [sflag:s29], $0x4000  }
0x104: {  	[sflag:s29] =	ssyncset.done $0x0  }
0x105: {  	[sflag:s29] =	ssyncadd.s32 $0xFFFFC000  }
0x106: {  	_ =	swait.ge [sflag:s29], $0x4000  }
0x107: {  	[sflag:s29] =	ssyncset.done $0x0  }
0x108: {  	[sflag:s29] =	ssyncadd.s32 $0xFFFFC000  }
0x109: {  	_ =	swait.ge [sflag:s29], $0x4000  }
0x10a: {  	[sflag:s29] =	ssyncset.done $0x0  }
0x10b: {  	[sflag:s29] =	ssyncadd.s32 $0xFFFFC000  }
0x10c: {  	_ =	swait.ge [sflag:s29], $0x4000  }
0x10d: {  	[sflag:s29] =	ssyncset.done $0x0  }
0x10e: {  	[sflag:s29] =	ssyncadd.s32 $0xFFFFC000  }
0x10f: {  	_ =	swait.ge [sflag:s29], $0x4000  }
0x110: {  	[sflag:s29] =	ssyncset.done $0x0  }
0x111: {  	[sflag:s29] =	ssyncadd.s32 $0xFFFFC000  }
0x112: {  	_ =	swait.ge [sflag:s29], $0x4000  }
0x113: {  	[sflag:s29] =	ssyncset.done $0x0  }
0x114: {  	[sflag:s29] =	ssyncadd.s32 $0xFFFFC000  }
0x115: {  	_ =	swait.ge [sflag:s29], $0x4000  }
0x116: {  	[sflag:s29] =	ssyncset.done $0x0  }
0x117: {  	s5 =	stileid.u32;
	[sflag:s29] =	ssyncadd.s32 $0xFFFFC000  }
0x118: {  	s0 =	sshll.u32 s5, $0x6;
	[bflag:$0x0] =	sbarrier.arrive $0xFFFF  }
0x119: {  	s0 =	sor.u32 $0x1C02, s0;
	s1 =	sshrl.u32 s4, $0x3;
	s5 =	rddreg [dreg:$0x4]  }
0x11a: {  	[hbm:s5], [sflag:s0] =	dma.local [spmem:s1], $0x2800  }
0x11b: {  	_ =	swait.ge [sflag:s26], $0x2800  }
0x11c: {  	s30 =	sadd.s32 $0x1, s30;
	s31 =	rddreg [dreg:$0x5]  }
0x11d: {  	p0 =	sne.s32 s30, s31  }
.Ltmp2:
0x11e: {  	_ = 	snop;
	(pc) =	sbr.rel @p0 .LBB2_1-.Ltmp2, $3  }
0x11f: {  	_ =	sdelay $0x1  }
0x120: {  	[sflag:s26] =	ssyncset.done $0x0  }
0x121: {  	[sflag:s26] =	ssyncadd.s32 $0xFFFFD800  }
0x122: {  	_ =	sfence.sel $0x180000  }
0x123: {  	[bflag:$0x0] =	sbarrier.arrive $0xFFFF  }
0x124: {  	_ =	strace $0x90000047  }
0x125: {  	s0 =	stileid.u32;
	[bflag:$0x2] =	sbarrier.arrive $0xFFFF  }
0x126: {  	p0 =	sne.s32 s0, $0x0;
	s0 =	rddreg [dreg:$0x2]  }
0x127: {  	s0 =	sadd.s32 @!p0 $0x100000, s0  }
0x128: {  	[sflag:s0] =	ssyncadd.tile.s32 @!p0 $0x1;
	_ =	shalt  }
.Lfunc_end2:
_tile_overlayer_lowered:
.L_overlay_start_2:
0x129: {  	(tag) =	ssettag $0x2  }
0x12a: {  	s0 =	rddreg [dreg:$0x0];
	s2 =	stileid.u32  }
0x12b: {  	s1 =	rddreg [dreg:$0x1];
	p0 =	sne.s32 s2, $0x0  }
0x12c: {  	s3 =	rddreg [dreg:$0x2];
	[bflag:$0x3] =	sbarrier.arrive $0xFFFF;
	s2 =	simm.s32 @!p0 $0x1C02  }
0x12d: {  	[timem:s3], [sflag:s2] =	dma.local @!p0 [hbm:s0], s1  }
0x12e: {  	s0 =	simm.s32 @!p0 $0x2  }
0x12f: {  	_ =	swait.ge @!p0 [sflag:s0], s1  }
0x130: {  	s1 =	ssub.s32 @!p0 $0x0, s1;
	[sflag:s0] =	ssyncset.done @!p0 $0x0  }
0x131: {  	[sflag:s0] =	ssyncadd.s32 @!p0 s1  }
0x132: {  	[bflag:$0x3] =	sbarrier.arrive $0xFFFF  }
0x133: {  	_ =	shalt  }

</sc_bundles>
